<compile_context>
chip_gen: v7x
topology: tpu7x:2x2x1
jax: 0.10.2.dev20260603
libtpu: 0.0.44.dev20260713+nightly
codegen_flags: <defaults>
</compile_context>

<pallas_src>
import functools

import jax
import jax.numpy as jnp
from jax import lax
from jax.experimental import pallas as pl
from jax.experimental.pallas import tpu as pltpu
from jax.experimental.pallas import tpu_sc as plsc

N = 10000
E = 320000
D = 128

NC = 2
NS = 16
K = 80
E_PER_TILE = E // NS
STEPS = E_PER_TILE // K
RC = K
NH = 10240
N_RCHUNKS = (N + RC - 1) // RC
RK_PER_TILE = (N_RCHUNKS + NS - 1) // NS

_f32 = jnp.float32


def _sc_body(x0, x1, x2, x3, src3, dst3,
             s0, s1, s2, s3, degh,
             acc,
             sidx, didxb0, didxb1, rows0, rows1, hist,
             sem0, sem1, isem0, isem1):
    cid = lax.axis_index("c")
    sid = lax.axis_index("s")

    pltpu.sync_copy(src3.at[pl.ds(sid * E_PER_TILE, E_PER_TILE)], sidx)

    def _fill_rows0(val):
        def body(i, carry):
            for j in range(D // 16):
                rows0[i, pl.ds(16 * j, 16)] = jnp.full((16,), carry, _f32)
            return carry

        lax.fori_loop(0, K, body, val)

    _fill_rows0(jnp.float32(0.0))

    def _for_chunks(fn):
        def body(k, carry):
            c = sid + NS * k

            @pl.when(c < N_RCHUNKS)
            def _():
                fn(pl.ds(c * RC, RC))

            return carry

        lax.fori_loop(0, RK_PER_TILE, body, 0)

    def _zero_acc(sl):
        pltpu.sync_copy(rows0, acc.at[sl])

    def _drain(buf, sem):
        pltpu.make_async_copy(x0.at[pl.ds(0, K)], buf, sem).wait()

    def _drain_idx(buf, sem):
        pltpu.make_async_copy(dst3.at[pl.ds(0, K)], buf, sem).wait()

    def _sidx(i):
        return sidx.at[pl.ds(i * K, K)]

    def _fire_idx(i, buf, sem):
        b = sid * E_PER_TILE + i * K
        pltpu.async_copy(dst3.at[pl.ds(b, K)], buf, sem)

    def _hist_chunk(buf):
        for v in range(K // 16):
            vec = buf[pl.ds(16 * v, 16)]
            cnt, m = plsc.scan_count(vec)
            plsc.addupdate_scatter(hist, [vec], cnt.astype(_f32), mask=m)

    def _edge_pass(xh, do_hist=False):
        _fire_idx(0, didxb0, isem0)
        _fire_idx(1, didxb1, isem1)
        pltpu.async_copy(xh.at[_sidx(0)], rows0, sem0)
        pltpu.async_copy(xh.at[_sidx(1)], rows1, sem1)

        def step(j, carry):
            i = 2 * j
            _drain(rows0, sem0)
            _drain_idx(didxb0, isem0)
            pltpu.sync_copy(rows0, acc.at[didxb0], add=True)
            if do_hist:
                @pl.when(cid == 0)
                def _():
                    _hist_chunk(didxb0)

            @pl.when(i + 2 < STEPS)
            def _():
                _fire_idx(i + 2, didxb0, isem0)
                pltpu.async_copy(xh.at[_sidx(i + 2)], rows0, sem0)

            _drain(rows1, sem1)
            _drain_idx(didxb1, isem1)
            pltpu.sync_copy(rows1, acc.at[didxb1], add=True)
            if do_hist:
                @pl.when(cid == 0)
                def _():
                    _hist_chunk(didxb1)

            @pl.when(i + 3 < STEPS)
            def _():
                _fire_idx(i + 3, didxb1, isem1)
                pltpu.async_copy(xh.at[_sidx(i + 3)], rows1, sem1)

            return carry

        lax.fori_loop(0, STEPS // 2, step, 0)

    def _zero_hist(i, carry):
        hist[pl.ds(16 * i, 16)] = jnp.zeros((16,), _f32)
        return carry

    lax.fori_loop(0, NH // 16, _zero_hist, 0)

    _for_chunks(_zero_acc)
    plsc.subcore_barrier()

    @pl.when(cid == 0)
    def _():
        _edge_pass(x0, do_hist=True)

    @pl.when(cid == 1)
    def _():
        _edge_pass(x2)

    @pl.when(cid == 0)
    def _():
        pltpu.sync_copy(hist, degh.at[sid])

    _fill_rows0(jnp.float32(0.0))
    plsc.subcore_barrier()

    def _write1(sl):
        @pl.when(cid == 0)
        def _():
            pltpu.sync_copy(acc.at[sl], s0.at[sl])

        @pl.when(cid == 1)
        def _():
            pltpu.sync_copy(acc.at[sl], s2.at[sl])

        pltpu.sync_copy(rows0, acc.at[sl])

    _for_chunks(_write1)
    plsc.subcore_barrier()

    @pl.when(cid == 0)
    def _():
        _edge_pass(x1)

    @pl.when(cid == 1)
    def _():
        _edge_pass(x3)

    plsc.subcore_barrier()

    def _write2(sl):
        @pl.when(cid == 0)
        def _():
            pltpu.sync_copy(acc.at[sl], s1.at[sl])

        @pl.when(cid == 1)
        def _():
            pltpu.sync_copy(acc.at[sl], s3.at[sl])

    _for_chunks(_write2)


@functools.cache
def _make_sc_aggregate():
  return pl.kernel(
    _sc_body,
    out_type=(
        jax.ShapeDtypeStruct((N, D), _f32),
        jax.ShapeDtypeStruct((N, D), _f32),
        jax.ShapeDtypeStruct((N, D), _f32),
        jax.ShapeDtypeStruct((N, D), _f32),
        jax.ShapeDtypeStruct((NS, NH), _f32),
    ),
    mesh=plsc.VectorSubcoreMesh(core_axis_name="c", subcore_axis_name="s"),
    compiler_params=pltpu.CompilerParams(needs_layout_passes=False),
    scratch_types=[
        pltpu.VMEM_SHARED((N, D), _f32),
        pltpu.VMEM((E_PER_TILE,), jnp.int32),
        pltpu.VMEM((K,), jnp.int32),
        pltpu.VMEM((K,), jnp.int32),
        pltpu.VMEM((K, D), _f32),
        pltpu.VMEM((K, D), _f32),
        pltpu.VMEM((NH,), _f32),
        pltpu.SemaphoreType.DMA,
        pltpu.SemaphoreType.DMA,
        pltpu.SemaphoreType.DMA,
        pltpu.SemaphoreType.DMA,
    ],
  )



R = 1000


def _deg_reduce_body(degh_ref, out_ref):
    ones = jnp.ones((NS, 1), _f32)
    out_ref[...] = jax.lax.dot_general(
        degh_ref[...], ones, (((0,), (0,)), ((), ())),
        preferred_element_type=_f32)


def _deg_reduce(degh):
    return pl.pallas_call(
        _deg_reduce_body,
        out_shape=jax.ShapeDtypeStruct((NH, 1), _f32),
    )(degh)


def _tc_body(s0, s1, s2, s3, degc, mskc, w, b2, wd, bd, out):
    deg = degc[...]
    recip = 1.0 / jnp.maximum(deg, 1.0)
    pos = jnp.where(deg > 0.0, 1.0, 0.0)
    wmat = w[...]
    brow = b2[...]

    def emb(s_ref):
        z = jnp.dot(s_ref[...] * recip, wmat, preferred_element_type=_f32) + brow
        return jnp.maximum(z, 0.0) * pos

    h = emb(s0)
    c1 = emb(s1)
    c2 = emb(s2)
    c3 = emb(s3)
    wdm = wd[...]
    m = mskc[:, 0:1]
    bd0 = bd[0]

    def score(c):
        t = jnp.dot(c, wdm, preferred_element_type=_f32)
        return jnp.sum(h * t, axis=1)

    logits = jnp.stack([score(c1), score(c2), score(c3)], axis=1)
    out[...] = (logits + bd0) * m


def _tc_finish(s0, s1, s2, s3, degc, mskc, w, b2, wd, bd):
    full = lambda i: (0, 0)
    return pl.pallas_call(
        _tc_body,
        grid=(N // R,),
        in_specs=[
            pl.BlockSpec((R, D), lambda i: (i, 0)),
            pl.BlockSpec((R, D), lambda i: (i, 0)),
            pl.BlockSpec((R, D), lambda i: (i, 0)),
            pl.BlockSpec((R, D), lambda i: (i, 0)),
            pl.BlockSpec((R, 1), lambda i: (i, 0)),
            pl.BlockSpec((R, 1), lambda i: (i, 0)),
            pl.BlockSpec((D, D), full),
            pl.BlockSpec((1, D), full),
            pl.BlockSpec((D, D), full),
            pl.BlockSpec(memory_space=pltpu.SMEM),
        ],
        out_specs=pl.BlockSpec((R, 3), lambda i: (i, 0)),
        out_shape=jax.ShapeDtypeStruct((N, 3), _f32),
    )(s0, s1, s2, s3, degc, mskc, w, b2, wd, bd)


def kernel(x, xk1, xk3, xk6, adj, msk, W, b, Wd, bd):
    adj32 = jnp.asarray(adj, jnp.int32)
    src3 = adj32[0]
    dst3 = adj32[1]
    s0, s1, s2, s3, degh = _make_sc_aggregate()(x, xk1, xk3, xk6,
                                                src3, dst3)
    degc = _deg_reduce(degh)[:N]
    out = _tc_finish(s0, s1, s2, s3, degc,
                     msk.reshape(N, 1), W, b.reshape(1, D), Wd, bd)
    return out.T

# --- scband reference (transcript-rebuilt; emitter-appended) ---
"""Pipeline reference for scband-stdgi-31275951849782 (READ-ONLY COPY).

The authoritative reference and input builder live on the scoring server;
editing this copy changes nothing except your own understanding.
"""

import jax, jax.numpy as jnp
import numpy as np

N_NODES = 10000
N_EDGES = 320000
N_IN = 128
N_H = 128


def _gcn(x, edge_index, W, b):
    # GCN layer: linear transform, mean aggregation over incoming edges, relu
    xw = x @ W + b
    src = edge_index[0]
    dst = edge_index[1]
    msgs = jnp.take(xw, src, axis=0)
    agg = jax.ops.segment_sum(msgs, dst, num_segments=x.shape[0])
    deg = jax.ops.segment_sum(jnp.ones_like(dst, dtype=xw.dtype), dst, num_segments=x.shape[0])
    h = agg / jnp.clip(deg, 1.0)[:, None]
    return jax.nn.relu(h)


def setup_inputs(seed: int = 0) -> dict:
    key = jax.random.key(seed)
    ks = jax.random.split(key, 10)
    x = jax.random.normal(ks[0], (N_NODES, N_IN), dtype=jnp.float32)
    xk1 = jax.random.normal(ks[1], (N_NODES, N_IN), dtype=jnp.float32)
    xk3 = jax.random.normal(ks[2], (N_NODES, N_IN), dtype=jnp.float32)
    xk6 = jax.random.normal(ks[3], (N_NODES, N_IN), dtype=jnp.float32)
    adj = jax.random.randint(ks[4], (2, N_EDGES), 0, N_NODES, dtype=jnp.int64)
    msk = jnp.ones((N_NODES,), dtype=jnp.float32)
    # Learned parameters: shared GCN (W, b) and bilinear discriminator (Wd, bd)
    W = jax.random.normal(ks[5], (N_IN, N_H), dtype=jnp.float32) * 0.05
    b = jnp.zeros((N_H,), dtype=jnp.float32)
    Wd = jax.random.normal(ks[6], (N_H, N_H), dtype=jnp.float32) * 0.05
    bd = jnp.zeros((1,), dtype=jnp.float32)
    return {"x": x, "xk1": xk1, "xk3": xk3, "xk6": xk6, "adj": adj, "msk": msk, "W": W, "b": b, "Wd": Wd, "bd": bd}


def reference(x, xk1, xk3, xk6, adj, msk, W, b, Wd, bd):
    # STDGI forward: embed current and future node features with shared GCN,
    # then score temporal pairs (h_i, c_i) with a per-node bilinear discriminator.
    h = _gcn(x, adj, W, b)
    c1 = _gcn(xk1, adj, W, b)
    c2 = _gcn(xk3, adj, W, b)
    c3 = _gcn(xk6, adj, W, b)

    def score(hh, cc):
        return jnp.sum(hh * (cc @ Wd), axis=-1) + bd[0]

    logits = jnp.stack([score(h, c1), score(h, c2), score(h, c3)], axis=0)
    return logits * msk[None, :]

if __name__ == "__main__":
    import jax
    _d = setup_inputs()
    print(jax.jit(kernel)(*tuple(_d.values())))

</pallas_src>

<mosaic_0001>
#map = affine_map<(d0, d1) -> (0, 0)>
#map1 = affine_map<(d0, d1) -> (0)>
module attributes {stable_mosaic.version = 14 : i64} {
  func.func @_sc_body(%arg0: i32, %arg1: i32, %arg2: memref<10000x128xf32, #tpu.memory_space<hbm>>, %arg3: memref<10000x128xf32, #tpu.memory_space<hbm>>, %arg4: memref<10000x128xf32, #tpu.memory_space<hbm>>, %arg5: memref<10000x128xf32, #tpu.memory_space<hbm>>, %arg6: memref<320000xi32, #tpu.memory_space<hbm>>, %arg7: memref<320000xi32, #tpu.memory_space<hbm>>, %arg8: memref<10000x128xf32, #tpu.memory_space<hbm>>, %arg9: memref<10000x128xf32, #tpu.memory_space<hbm>>, %arg10: memref<10000x128xf32, #tpu.memory_space<hbm>>, %arg11: memref<10000x128xf32, #tpu.memory_space<hbm>>, %arg12: memref<16x10240xf32, #tpu.memory_space<hbm>>, %arg13: memref<10000x128xf32, #tpu.memory_space<vmem_shared>>, %arg14: memref<20000xi32, #tpu.memory_space<vmem>>, %arg15: memref<80xi32, #tpu.memory_space<vmem>>, %arg16: memref<80xi32, #tpu.memory_space<vmem>>, %arg17: memref<80x128xf32, #tpu.memory_space<vmem>>, %arg18: memref<80x128xf32, #tpu.memory_space<vmem>>, %arg19: memref<10240xf32, #tpu.memory_space<vmem>>, %arg20: memref<!tpu.dma_semaphore, #tpu.memory_space<semaphore_mem>>, %arg21: memref<!tpu.dma_semaphore, #tpu.memory_space<semaphore_mem>>, %arg22: memref<!tpu.dma_semaphore, #tpu.memory_space<semaphore_mem>>, %arg23: memref<!tpu.dma_semaphore, #tpu.memory_space<semaphore_mem>>) attributes {dimension_semantics = [#tpu.dimension_semantics<core_parallel>, #tpu.dimension_semantics<subcore_parallel>], iteration_bounds = array<i64: 2, 16>, scalar_prefetch = 0 : i64, scratch_operands = 11 : i64, tpu.core_type = #tpu.core_type<sc_vector_subcore>, window_params = [{transform_indices = #map}, {transform_indices = #map}, {transform_indices = #map}, {transform_indices = #map}, {transform_indices = #map1}, {transform_indices = #map1}, {transform_indices = #map}, {transform_indices = #map}, {transform_indices = #map}, {transform_indices = #map}, {transform_indices = #map}]} {
    %mul3A = arith.constant 20000 : i32
    %mul3A_0 = arith.muli %arg1, %mul3A : i32
    "tpu.region"() ({
      %run_scoped3A = tpu.sem_alloc : memref<!tpu.dma_semaphore, #tpu.memory_space<semaphore_mem>>
      %dma_start3A = tpu.memref_slice %arg6[%mul3A_0] : memref<320000xi32, #tpu.memory_space<hbm>> -> memref<20000xi32, #tpu.memory_space<hbm>>
      %dma_start3A_61 = tpu.memref_slice %arg6[%mul3A_0] : memref<320000xi32, #tpu.memory_space<hbm>> -> memref<20000xi32, #tpu.memory_space<hbm>>
      tpu.enqueue_dma source(%dma_start3A_61 : memref<20000xi32, #tpu.memory_space<hbm>>) target(%arg14 : memref<20000xi32, #tpu.memory_space<vmem>>) target_semaphore(%run_scoped3A : memref<!tpu.dma_semaphore, #tpu.memory_space<semaphore_mem>>)
      %dma_wait3A = tpu.memref_slice %arg6[%mul3A_0] : memref<320000xi32, #tpu.memory_space<hbm>> -> memref<20000xi32, #tpu.memory_space<hbm>>
      %dma_wait3A_62 = tpu.memref_slice %arg6[%mul3A_0] : memref<320000xi32, #tpu.memory_space<hbm>> -> memref<20000xi32, #tpu.memory_space<hbm>>
      tpu.wait_dma2 semaphore(%run_scoped3A : memref<!tpu.dma_semaphore, #tpu.memory_space<semaphore_mem>>) src(%dma_wait3A_62 : memref<20000xi32, #tpu.memory_space<hbm>>) dst(%arg14 : memref<20000xi32, #tpu.memory_space<vmem>>)
      tpu.yield
    }) : () -> ()
    %scan3A = arith.constant 0.000000e+00 : f32
    %scan3A_1 = arith.constant 0 : i32
    %scan3A_2 = arith.constant 80 : i32
    %scan3A_3 = arith.addi %scan3A_1, %scan3A_2 : i32
    %scan3A_4 = arith.constant 1 : i32
    scf.for %scan3A_61 = %scan3A_1 to %scan3A_3 step %scan3A_4  : i32 {
      %broadcast_in_dim3A = vector.broadcast %scan3A : f32 to vector<16xf32>
      %swap3A = arith.index_cast %scan3A_61 : i32 to index
      %swap3A_62 = arith.constant 0 : index
      %swap3A_63 = tpu.vector_load %arg17[%swap3A, %swap3A_62] {strides = array<i32>} : memref<80x128xf32, #tpu.memory_space<vmem>>, vector<16xf32>,
      tpu.vector_store %arg17[%swap3A, %swap3A_62], %broadcast_in_dim3A {strides = array<i32>} : memref<80x128xf32, #tpu.memory_space<vmem>>, vector<16xf32>,
      %broadcast_in_dim3A_64 = vector.broadcast %scan3A : f32 to vector<16xf32>
      %swap3A_65 = arith.index_cast %scan3A_61 : i32 to index
      %swap3A_66 = arith.constant 16 : index
      %swap3A_67 = tpu.vector_load %arg17[%swap3A_65, %swap3A_66] {strides = array<i32>} : memref<80x128xf32, #tpu.memory_space<vmem>>, vector<16xf32>,
      tpu.vector_store %arg17[%swap3A_65, %swap3A_66], %broadcast_in_dim3A_64 {strides = array<i32>} : memref<80x128xf32, #tpu.memory_space<vmem>>, vector<16xf32>,
      %broadcast_in_dim3A_68 = vector.broadcast %scan3A : f32 to vector<16xf32>
      %swap3A_69 = arith.index_cast %scan3A_61 : i32 to index
      %swap3A_70 = arith.constant 32 : index
      %swap3A_71 = tpu.vector_load %arg17[%swap3A_69, %swap3A_70] {strides = array<i32>} : memref<80x128xf32, #tpu.memory_space<vmem>>, vector<16xf32>,
      tpu.vector_store %arg17[%swap3A_69, %swap3A_70], %broadcast_in_dim3A_68 {strides = array<i32>} : memref<80x128xf32, #tpu.memory_space<vmem>>, vector<16xf32>,
      %broadcast_in_dim3A_72 = vector.broadcast %scan3A : f32 to vector<16xf32>
      %swap3A_73 = arith.index_cast %scan3A_61 : i32 to index
      %swap3A_74 = arith.constant 48 : index
      %swap3A_75 = tpu.vector_load %arg17[%swap3A_73, %swap3A_74] {strides = array<i32>} : memref<80x128xf32, #tpu.memory_space<vmem>>, vector<16xf32>,
      tpu.vector_store %arg17[%swap3A_73, %swap3A_74], %broadcast_in_dim3A_72 {strides = array<i32>} : memref<80x128xf32, #tpu.memory_space<vmem>>, vector<16xf32>,
      %broadcast_in_dim3A_76 = vector.broadcast %scan3A : f32 to vector<16xf32>
      %swap3A_77 = arith.index_cast %scan3A_61 : i32 to index
      %swap3A_78 = arith.constant 64 : index
      %swap3A_79 = tpu.vector_load %arg17[%swap3A_77, %swap3A_78] {strides = array<i32>} : memref<80x128xf32, #tpu.memory_space<vmem>>, vector<16xf32>,
      tpu.vector_store %arg17[%swap3A_77, %swap3A_78], %broadcast_in_dim3A_76 {strides = array<i32>} : memref<80x128xf32, #tpu.memory_space<vmem>>, vector<16xf32>,
      %broadcast_in_dim3A_80 = vector.broadcast %scan3A : f32 to vector<16xf32>
      %swap3A_81 = arith.index_cast %scan3A_61 : i32 to index
      %swap3A_82 = arith.constant 80 : index
      %swap3A_83 = tpu.vector_load %arg17[%swap3A_81, %swap3A_82] {strides = array<i32>} : memref<80x128xf32, #tpu.memory_space<vmem>>, vector<16xf32>,
      tpu.vector_store %arg17[%swap3A_81, %swap3A_82], %broadcast_in_dim3A_80 {strides = array<i32>} : memref<80x128xf32, #tpu.memory_space<vmem>>, vector<16xf32>,
      %broadcast_in_dim3A_84 = vector.broadcast %scan3A : f32 to vector<16xf32>
      %swap3A_85 = arith.index_cast %scan3A_61 : i32 to index
      %swap3A_86 = arith.constant 96 : index
      %swap3A_87 = tpu.vector_load %arg17[%swap3A_85, %swap3A_86] {strides = array<i32>} : memref<80x128xf32, #tpu.memory_space<vmem>>, vector<16xf32>,
      tpu.vector_store %arg17[%swap3A_85, %swap3A_86], %broadcast_in_dim3A_84 {strides = array<i32>} : memref<80x128xf32, #tpu.memory_space<vmem>>, vector<16xf32>,
      %broadcast_in_dim3A_88 = vector.broadcast %scan3A : f32 to vector<16xf32>
      %swap3A_89 = arith.index_cast %scan3A_61 : i32 to index
      %swap3A_90 = arith.constant 112 : index
      %swap3A_91 = tpu.vector_load %arg17[%swap3A_89, %swap3A_90] {strides = array<i32>} : memref<80x128xf32, #tpu.memory_space<vmem>>, vector<16xf32>,
      tpu.vector_store %arg17[%swap3A_89, %swap3A_90], %broadcast_in_dim3A_88 {strides = array<i32>} : memref<80x128xf32, #tpu.memory_space<vmem>>, vector<16xf32>,
    }
    %scan3A_5 = arith.constant 80 : i32
    %scan3A_6 = arith.constant 0 : i32
    %scan3A_7 = arith.constant 0 : i32
    %scan3A_8 = arith.constant 640 : i32
    %scan3A_9 = arith.addi %scan3A_7, %scan3A_8 : i32
    %scan3A_10 = arith.constant 1 : i32
    scf.for %scan3A_61 = %scan3A_7 to %scan3A_9 step %scan3A_10  : i32 {
      %broadcast_in_dim3A = arith.constant 0.000000e+00 : f32
      %broadcast_in_dim3A_62 = vector.broadcast %broadcast_in_dim3A : f32 to vector<16xf32>
      %mul3A_63 = arith.constant 16 : i32
      %mul3A_64 = arith.muli %mul3A_63, %scan3A_61 : i32
      %swap3A = arith.index_cast %mul3A_64 : i32 to index
      %swap3A_65 = tpu.vector_load %arg19[%swap3A] {strides = array<i32>} : memref<10240xf32, #tpu.memory_space<vmem>>, vector<16xf32>,
      tpu.vector_store %arg19[%swap3A], %broadcast_in_dim3A_62 {strides = array<i32>} : memref<10240xf32, #tpu.memory_space<vmem>>, vector<16xf32>,
    }
    %scan3A_11 = arith.constant 640 : i32
    %scan3A_12 = arith.constant 0 : i32
    %scan3A_13 = arith.constant 0 : i32
    %scan3A_14 = arith.constant 8 : i32
    %scan3A_15 = arith.addi %scan3A_13, %scan3A_14 : i32
    %scan3A_16 = arith.constant 1 : i32
    scf.for %scan3A_61 = %scan3A_13 to %scan3A_15 step %scan3A_16  : i32 {
      %mul3A_62 = arith.constant 16 : i32
      %mul3A_63 = arith.muli %mul3A_62, %scan3A_61 : i32
      %add3A = arith.addi %arg1, %mul3A_63 : i32
      %lt3A = arith.constant 125 : i32
      %lt3A_64 = arith.cmpi slt, %add3A, %lt3A : i32
      %convert_element_type3A_65 = arith.extui %lt3A_64 : i1 to i32
      %cond3A_66 = arith.constant 0 : i32
      %cond3A_67 = arith.cmpi ne, %convert_element_type3A_65, %cond3A_66 : i32
      scf.if %cond3A_67 {
        %mul3A_68 = arith.constant 80 : i32
        %mul3A_69 = arith.muli %add3A, %mul3A_68 : i32
        "tpu.region"() ({
          %run_scoped3A = tpu.sem_alloc : memref<!tpu.dma_semaphore, #tpu.memory_space<semaphore_mem>>
          %dma_start3A = arith.constant 0 : i32
          %dma_start3A_70 = tpu.memref_slice %arg13[%mul3A_69, %dma_start3A] : memref<10000x128xf32, #tpu.memory_space<vmem_shared>> -> memref<80x128xf32, #tpu.memory_space<vmem_shared>>
          %dma_start3A_71 = arith.constant 0 : i32
          %dma_start3A_72 = tpu.memref_slice %arg13[%mul3A_69, %dma_start3A_71] : memref<10000x128xf32, #tpu.memory_space<vmem_shared>> -> memref<80x128xf32, #tpu.memory_space<vmem_shared>>
          tpu.enqueue_dma source(%arg17 : memref<80x128xf32, #tpu.memory_space<vmem>>) target(%dma_start3A_72 : memref<80x128xf32, #tpu.memory_space<vmem_shared>>) target_semaphore(%run_scoped3A : memref<!tpu.dma_semaphore, #tpu.memory_space<semaphore_mem>>)
          %dma_wait3A = arith.constant 0 : i32
          %dma_wait3A_73 = tpu.memref_slice %arg13[%mul3A_69, %dma_wait3A] : memref<10000x128xf32, #tpu.memory_space<vmem_shared>> -> memref<80x128xf32, #tpu.memory_space<vmem_shared>>
          %dma_wait3A_74 = arith.constant 0 : i32
          %dma_wait3A_75 = tpu.memref_slice %arg13[%mul3A_69, %dma_wait3A_74] : memref<10000x128xf32, #tpu.memory_space<vmem_shared>> -> memref<80x128xf32, #tpu.memory_space<vmem_shared>>
          tpu.wait_dma2 semaphore(%run_scoped3A : memref<!tpu.dma_semaphore, #tpu.memory_space<semaphore_mem>>) src(%arg17 : memref<80x128xf32, #tpu.memory_space<vmem>>) dst(%dma_wait3A_75 : memref<80x128xf32, #tpu.memory_space<vmem_shared>>)
          tpu.yield
        }) : () -> ()
      } else {
      }
    }
    %scan3A_17 = arith.constant 8 : i32
    %barrier3A = arith.constant 0 : index
    tpu.barrier barrier_id(%barrier3A)
    %eq3A = arith.constant 0 : i32
    %eq3A_18 = arith.cmpi eq, %arg0, %eq3A : i32
    %convert_element_type3A = arith.extui %eq3A_18 : i1 to i32
    %cond3A = arith.constant 0 : i32
    %cond3A_19 = arith.cmpi ne, %convert_element_type3A, %cond3A : i32
    scf.if %cond3A_19 {
      %mul3A_61 = arith.constant 20000 : i32
      %mul3A_62 = arith.muli %arg1, %mul3A_61 : i32
      %add3A = arith.constant 0 : i32
      %add3A_63 = arith.addi %mul3A_62, %add3A : i32
      %dma_start3A = tpu.memref_slice %arg7[%add3A_63] : memref<320000xi32, #tpu.memory_space<hbm>> -> memref<80xi32, #tpu.memory_space<hbm>>
      %dma_start3A_64 = tpu.memref_slice %arg7[%add3A_63] : memref<320000xi32, #tpu.memory_space<hbm>> -> memref<80xi32, #tpu.memory_space<hbm>>
      tpu.enqueue_dma source(%dma_start3A_64 : memref<80xi32, #tpu.memory_space<hbm>>) target(%arg15 : memref<80xi32, #tpu.memory_space<vmem>>) target_semaphore(%arg22 : memref<!tpu.dma_semaphore, #tpu.memory_space<semaphore_mem>>)
      %mul3A_65 = arith.constant 20000 : i32
      %mul3A_66 = arith.muli %arg1, %mul3A_65 : i32
      %add3A_67 = arith.constant 80 : i32
      %add3A_68 = arith.addi %mul3A_66, %add3A_67 : i32
      %dma_start3A_69 = tpu.memref_slice %arg7[%add3A_68] : memref<320000xi32, #tpu.memory_space<hbm>> -> memref<80xi32, #tpu.memory_space<hbm>>
      %dma_start3A_70 = tpu.memref_slice %arg7[%add3A_68] : memref<320000xi32, #tpu.memory_space<hbm>> -> memref<80xi32, #tpu.memory_space<hbm>>
      tpu.enqueue_dma source(%dma_start3A_70 : memref<80xi32, #tpu.memory_space<hbm>>) target(%arg16 : memref<80xi32, #tpu.memory_space<vmem>>) target_semaphore(%arg23 : memref<!tpu.dma_semaphore, #tpu.memory_space<semaphore_mem>>)
      %dma_start3A_71 = arith.constant 0 : i32
      %dma_start3A_72 = tpu.memref_slice %arg14[%dma_start3A_71] : memref<20000xi32, #tpu.memory_space<vmem>> -> memref<80xi32, #tpu.memory_space<vmem>>
      %dma_start3A_73 = arith.constant 0 : i32
      %dma_start3A_74 = arith.constant 0 : i32
      %dma_start3A_75 = tpu.memref_slice %arg2[%dma_start3A_73, %dma_start3A_74] : memref<10000x128xf32, #tpu.memory_space<hbm>> -> memref<10000x128xf32, #tpu.memory_space<hbm>>
      tpu.enqueue_indirect_dma source(%dma_start3A_75 : memref<10000x128xf32, #tpu.memory_space<hbm>>) target(%arg17 : memref<80x128xf32, #tpu.memory_space<vmem>>) offsets(%dma_start3A_72 : memref<80xi32, #tpu.memory_space<vmem>>) semaphore(%arg20 : memref<!tpu.dma_semaphore, #tpu.memory_space<semaphore_mem>>)
      %dma_start3A_76 = arith.constant 80 : i32
      %dma_start3A_77 = tpu.memref_slice %arg14[%dma_start3A_76] : memref<20000xi32, #tpu.memory_space<vmem>> -> memref<80xi32, #tpu.memory_space<vmem>>
      %dma_start3A_78 = arith.constant 0 : i32
      %dma_start3A_79 = arith.constant 0 : i32
      %dma_start3A_80 = tpu.memref_slice %arg2[%dma_start3A_78, %dma_start3A_79] : memref<10000x128xf32, #tpu.memory_space<hbm>> -> memref<10000x128xf32, #tpu.memory_space<hbm>>
      tpu.enqueue_indirect_dma source(%dma_start3A_80 : memref<10000x128xf32, #tpu.memory_space<hbm>>) target(%arg18 : memref<80x128xf32, #tpu.memory_space<vmem>>) offsets(%dma_start3A_77 : memref<80xi32, #tpu.memory_space<vmem>>) semaphore(%arg21 : memref<!tpu.dma_semaphore, #tpu.memory_space<semaphore_mem>>)
      %scan3A_81 = arith.constant 0 : i32
      %scan3A_82 = arith.constant 0 : i32
      %scan3A_83 = arith.constant 125 : i32
      %scan3A_84 = arith.addi %scan3A_82, %scan3A_83 : i32
      %scan3A_85 = arith.constant 1 : i32
      scf.for %scan3A_87 = %scan3A_82 to %scan3A_84 step %scan3A_85  : i32 {
        %mul3A_88 = arith.constant 2 : i32
        %mul3A_89 = arith.muli %mul3A_88, %scan3A_87 : i32
        %dma_wait3A = arith.constant 0 : i32
        %dma_wait3A_90 = arith.constant 0 : i32
        %dma_wait3A_91 = tpu.memref_slice %arg2[%dma_wait3A, %dma_wait3A_90] : memref<10000x128xf32, #tpu.memory_space<hbm>> -> memref<80x128xf32, #tpu.memory_space<hbm>>
        %dma_wait3A_92 = arith.constant 0 : i32
        %dma_wait3A_93 = arith.constant 0 : i32
        %dma_wait3A_94 = tpu.memref_slice %arg2[%dma_wait3A_92, %dma_wait3A_93] : memref<10000x128xf32, #tpu.memory_space<hbm>> -> memref<80x128xf32, #tpu.memory_space<hbm>>
        tpu.wait_dma2 semaphore(%arg20 : memref<!tpu.dma_semaphore, #tpu.memory_space<semaphore_mem>>) src(%dma_wait3A_94 : memref<80x128xf32, #tpu.memory_space<hbm>>) dst(%arg17 : memref<80x128xf32, #tpu.memory_space<vmem>>)
        %dma_wait3A_95 = arith.constant 0 : i32
        %dma_wait3A_96 = tpu.memref_slice %arg7[%dma_wait3A_95] : memref<320000xi32, #tpu.memory_space<hbm>> -> memref<80xi32, #tpu.memory_space<hbm>>
        %dma_wait3A_97 = arith.constant 0 : i32
        %dma_wait3A_98 = tpu.memref_slice %arg7[%dma_wait3A_97] : memref<320000xi32, #tpu.memory_space<hbm>> -> memref<80xi32, #tpu.memory_space<hbm>>
        tpu.wait_dma2 semaphore(%arg22 : memref<!tpu.dma_semaphore, #tpu.memory_space<semaphore_mem>>) src(%dma_wait3A_98 : memref<80xi32, #tpu.memory_space<hbm>>) dst(%arg15 : memref<80xi32, #tpu.memory_space<vmem>>)
        "tpu.region"() ({
          %run_scoped3A = tpu.sem_alloc : memref<!tpu.dma_semaphore, #tpu.memory_space<semaphore_mem>>
          %dma_start3A_132 = arith.constant 0 : i32
          %dma_start3A_133 = arith.constant 0 : i32
          %dma_start3A_134 = tpu.memref_slice %arg13[%dma_start3A_132, %dma_start3A_133] : memref<10000x128xf32, #tpu.memory_space<vmem_shared>> -> memref<10000x128xf32, #tpu.memory_space<vmem_shared>>
          tpu.enqueue_indirect_dma source(%arg17 : memref<80x128xf32, #tpu.memory_space<vmem>>) target(%dma_start3A_134 : memref<10000x128xf32, #tpu.memory_space<vmem_shared>>) offsets(%arg15 : memref<80xi32, #tpu.memory_space<vmem>>) semaphore(%run_scoped3A : memref<!tpu.dma_semaphore, #tpu.memory_space<semaphore_mem>>) {add = true}
          %dma_wait3A_135 = arith.constant 0 : i32
          %dma_wait3A_136 = arith.constant 0 : i32
          %dma_wait3A_137 = tpu.memref_slice %arg13[%dma_wait3A_135, %dma_wait3A_136] : memref<10000x128xf32, #tpu.memory_space<vmem_shared>> -> memref<10000x128xf32, #tpu.memory_space<vmem_shared>>
          tpu.wait_indirect_dma semaphore(%run_scoped3A : memref<!tpu.dma_semaphore, #tpu.memory_space<semaphore_mem>>) src(%arg17 : memref<80x128xf32, #tpu.memory_space<vmem>>) dst(%dma_wait3A_137 : memref<10000x128xf32, #tpu.memory_space<vmem_shared>>)
          tpu.yield
        }) : () -> ()
        %eq3A_99 = arith.constant 0 : i32
        %eq3A_100 = arith.cmpi eq, %arg0, %eq3A_99 : i32
        %convert_element_type3A_101 = arith.extui %eq3A_100 : i1 to i32
        %cond3A_102 = arith.constant 0 : i32
        %cond3A_103 = arith.cmpi ne, %convert_element_type3A_101, %cond3A_102 : i32
        scf.if %cond3A_103 {
          %get3A = arith.constant 0 : index
          %get3A_132 = tpu.vector_load %arg15[%get3A] {strides = array<i32>} : memref<80xi32, #tpu.memory_space<vmem>>, vector<16xi32>,
          %broadcast_in_dim3A = arith.constant true
          %broadcast_in_dim3A_133 = vector.broadcast %broadcast_in_dim3A : i1 to vector<16xi1>
          %unique3A, %unique3A_134 = tpu.scan_count mask(%broadcast_in_dim3A_133 : vector<16xi1>) value(%get3A_132 : vector<16xi32>) : vector<16xi1>, vector<16xi32>
          %convert_element_type3A_135 = arith.sitofp %unique3A_134 : vector<16xi32> to vector<16xf32>
          tpu.vector_store_idx %arg19[%get3A_132], %convert_element_type3A_135 masked %unique3A {add = true} : memref<10240xf32, #tpu.memory_space<vmem>>[vector<16xi32>], vector<16xf32>, vector<16xi1>
          %get3A_136 = arith.constant 16 : index
          %get3A_137 = tpu.vector_load %arg15[%get3A_136] {strides = array<i32>} : memref<80xi32, #tpu.memory_space<vmem>>, vector<16xi32>,
          %broadcast_in_dim3A_138 = arith.constant true
          %broadcast_in_dim3A_139 = vector.broadcast %broadcast_in_dim3A_138 : i1 to vector<16xi1>
          %unique3A_140, %unique3A_141 = tpu.scan_count mask(%broadcast_in_dim3A_139 : vector<16xi1>) value(%get3A_137 : vector<16xi32>) : vector<16xi1>, vector<16xi32>
          %convert_element_type3A_142 = arith.sitofp %unique3A_141 : vector<16xi32> to vector<16xf32>
          tpu.vector_store_idx %arg19[%get3A_137], %convert_element_type3A_142 masked %unique3A_140 {add = true} : memref<10240xf32, #tpu.memory_space<vmem>>[vector<16xi32>], vector<16xf32>, vector<16xi1>
          %get3A_143 = arith.constant 32 : index
          %get3A_144 = tpu.vector_load %arg15[%get3A_143] {strides = array<i32>} : memref<80xi32, #tpu.memory_space<vmem>>, vector<16xi32>,
          %broadcast_in_dim3A_145 = arith.constant true
          %broadcast_in_dim3A_146 = vector.broadcast %broadcast_in_dim3A_145 : i1 to vector<16xi1>
          %unique3A_147, %unique3A_148 = tpu.scan_count mask(%broadcast_in_dim3A_146 : vector<16xi1>) value(%get3A_144 : vector<16xi32>) : vector<16xi1>, vector<16xi32>
          %convert_element_type3A_149 = arith.sitofp %unique3A_148 : vector<16xi32> to vector<16xf32>
          tpu.vector_store_idx %arg19[%get3A_144], %convert_element_type3A_149 masked %unique3A_147 {add = true} : memref<10240xf32, #tpu.memory_space<vmem>>[vector<16xi32>], vector<16xf32>, vector<16xi1>
          %get3A_150 = arith.constant 48 : index
          %get3A_151 = tpu.vector_load %arg15[%get3A_150] {strides = array<i32>} : memref<80xi32, #tpu.memory_space<vmem>>, vector<16xi32>,
          %broadcast_in_dim3A_152 = arith.constant true
          %broadcast_in_dim3A_153 = vector.broadcast %broadcast_in_dim3A_152 : i1 to vector<16xi1>
          %unique3A_154, %unique3A_155 = tpu.scan_count mask(%broadcast_in_dim3A_153 : vector<16xi1>) value(%get3A_151 : vector<16xi32>) : vector<16xi1>, vector<16xi32>
          %convert_element_type3A_156 = arith.sitofp %unique3A_155 : vector<16xi32> to vector<16xf32>
          tpu.vector_store_idx %arg19[%get3A_151], %convert_element_type3A_156 masked %unique3A_154 {add = true} : memref<10240xf32, #tpu.memory_space<vmem>>[vector<16xi32>], vector<16xf32>, vector<16xi1>
          %get3A_157 = arith.constant 64 : index
          %get3A_158 = tpu.vector_load %arg15[%get3A_157] {strides = array<i32>} : memref<80xi32, #tpu.memory_space<vmem>>, vector<16xi32>,
          %broadcast_in_dim3A_159 = arith.constant true
          %broadcast_in_dim3A_160 = vector.broadcast %broadcast_in_dim3A_159 : i1 to vector<16xi1>
          %unique3A_161, %unique3A_162 = tpu.scan_count mask(%broadcast_in_dim3A_160 : vector<16xi1>) value(%get3A_158 : vector<16xi32>) : vector<16xi1>, vector<16xi32>
          %convert_element_type3A_163 = arith.sitofp %unique3A_162 : vector<16xi32> to vector<16xf32>
          tpu.vector_store_idx %arg19[%get3A_158], %convert_element_type3A_163 masked %unique3A_161 {add = true} : memref<10240xf32, #tpu.memory_space<vmem>>[vector<16xi32>], vector<16xf32>, vector<16xi1>
        } else {
        }
        %add3A_104 = arith.constant 2 : i32
        %add3A_105 = arith.addi %mul3A_89, %add3A_104 : i32
        %lt3A = arith.constant 250 : i32
        %lt3A_106 = arith.cmpi slt, %add3A_105, %lt3A : i32
        %convert_element_type3A_107 = arith.extui %lt3A_106 : i1 to i32
        %cond3A_108 = arith.constant 0 : i32
        %cond3A_109 = arith.cmpi ne, %convert_element_type3A_107, %cond3A_108 : i32
        scf.if %cond3A_109 {
          %add3A_132 = arith.constant 2 : i32
          %add3A_133 = arith.addi %mul3A_89, %add3A_132 : i32
          %mul3A_134 = arith.constant 20000 : i32
          %mul3A_135 = arith.muli %arg1, %mul3A_134 : i32
          %mul3A_136 = arith.constant 80 : i32
          %mul3A_137 = arith.muli %add3A_133, %mul3A_136 : i32
          %add3A_138 = arith.addi %mul3A_135, %mul3A_137 : i32
          %dma_start3A_139 = tpu.memref_slice %arg7[%add3A_138] : memref<320000xi32, #tpu.memory_space<hbm>> -> memref<80xi32, #tpu.memory_space<hbm>>
          %dma_start3A_140 = tpu.memref_slice %arg7[%add3A_138] : memref<320000xi32, #tpu.memory_space<hbm>> -> memref<80xi32, #tpu.memory_space<hbm>>
          tpu.enqueue_dma source(%dma_start3A_140 : memref<80xi32, #tpu.memory_space<hbm>>) target(%arg15 : memref<80xi32, #tpu.memory_space<vmem>>) target_semaphore(%arg22 : memref<!tpu.dma_semaphore, #tpu.memory_space<semaphore_mem>>)
          %add3A_141 = arith.constant 2 : i32
          %add3A_142 = arith.addi %mul3A_89, %add3A_141 : i32
          %mul3A_143 = arith.constant 80 : i32
          %mul3A_144 = arith.muli %add3A_142, %mul3A_143 : i32
          %dma_start3A_145 = tpu.memref_slice %arg14[%mul3A_144] : memref<20000xi32, #tpu.memory_space<vmem>> -> memref<80xi32, #tpu.memory_space<vmem>>
          %dma_start3A_146 = arith.constant 0 : i32
          %dma_start3A_147 = arith.constant 0 : i32
          %dma_start3A_148 = tpu.memref_slice %arg2[%dma_start3A_146, %dma_start3A_147] : memref<10000x128xf32, #tpu.memory_space<hbm>> -> memref<10000x128xf32, #tpu.memory_space<hbm>>
          tpu.enqueue_indirect_dma source(%dma_start3A_148 : memref<10000x128xf32, #tpu.memory_space<hbm>>) target(%arg17 : memref<80x128xf32, #tpu.memory_space<vmem>>) offsets(%dma_start3A_145 : memref<80xi32, #tpu.memory_space<vmem>>) semaphore(%arg20 : memref<!tpu.dma_semaphore, #tpu.memory_space<semaphore_mem>>)
        } else {
        }
        %dma_wait3A_110 = arith.constant 0 : i32
        %dma_wait3A_111 = arith.constant 0 : i32
        %dma_wait3A_112 = tpu.memref_slice %arg2[%dma_wait3A_110, %dma_wait3A_111] : memref<10000x128xf32, #tpu.memory_space<hbm>> -> memref<80x128xf32, #tpu.memory_space<hbm>>
        %dma_wait3A_113 = arith.constant 0 : i32
        %dma_wait3A_114 = arith.constant 0 : i32
        %dma_wait3A_115 = tpu.memref_slice %arg2[%dma_wait3A_113, %dma_wait3A_114] : memref<10000x128xf32, #tpu.memory_space<hbm>> -> memref<80x128xf32, #tpu.memory_space<hbm>>
        tpu.wait_dma2 semaphore(%arg21 : memref<!tpu.dma_semaphore, #tpu.memory_space<semaphore_mem>>) src(%dma_wait3A_115 : memref<80x128xf32, #tpu.memory_space<hbm>>) dst(%arg18 : memref<80x128xf32, #tpu.memory_space<vmem>>)
        %dma_wait3A_116 = arith.constant 0 : i32
        %dma_wait3A_117 = tpu.memref_slice %arg7[%dma_wait3A_116] : memref<320000xi32, #tpu.memory_space<hbm>> -> memref<80xi32, #tpu.memory_space<hbm>>
        %dma_wait3A_118 = arith.constant 0 : i32
        %dma_wait3A_119 = tpu.memref_slice %arg7[%dma_wait3A_118] : memref<320000xi32, #tpu.memory_space<hbm>> -> memref<80xi32, #tpu.memory_space<hbm>>
        tpu.wait_dma2 semaphore(%arg23 : memref<!tpu.dma_semaphore, #tpu.memory_space<semaphore_mem>>) src(%dma_wait3A_119 : memref<80xi32, #tpu.memory_space<hbm>>) dst(%arg16 : memref<80xi32, #tpu.memory_space<vmem>>)
        "tpu.region"() ({
          %run_scoped3A = tpu.sem_alloc : memref<!tpu.dma_semaphore, #tpu.memory_space<semaphore_mem>>
          %dma_start3A_132 = arith.constant 0 : i32
          %dma_start3A_133 = arith.constant 0 : i32
          %dma_start3A_134 = tpu.memref_slice %arg13[%dma_start3A_132, %dma_start3A_133] : memref<10000x128xf32, #tpu.memory_space<vmem_shared>> -> memref<10000x128xf32, #tpu.memory_space<vmem_shared>>
          tpu.enqueue_indirect_dma source(%arg18 : memref<80x128xf32, #tpu.memory_space<vmem>>) target(%dma_start3A_134 : memref<10000x128xf32, #tpu.memory_space<vmem_shared>>) offsets(%arg16 : memref<80xi32, #tpu.memory_space<vmem>>) semaphore(%run_scoped3A : memref<!tpu.dma_semaphore, #tpu.memory_space<semaphore_mem>>) {add = true}
          %dma_wait3A_135 = arith.constant 0 : i32
          %dma_wait3A_136 = arith.constant 0 : i32
          %dma_wait3A_137 = tpu.memref_slice %arg13[%dma_wait3A_135, %dma_wait3A_136] : memref<10000x128xf32, #tpu.memory_space<vmem_shared>> -> memref<10000x128xf32, #tpu.memory_space<vmem_shared>>
          tpu.wait_indirect_dma semaphore(%run_scoped3A : memref<!tpu.dma_semaphore, #tpu.memory_space<semaphore_mem>>) src(%arg18 : memref<80x128xf32, #tpu.memory_space<vmem>>) dst(%dma_wait3A_137 : memref<10000x128xf32, #tpu.memory_space<vmem_shared>>)
          tpu.yield
        }) : () -> ()
        %eq3A_120 = arith.constant 0 : i32
        %eq3A_121 = arith.cmpi eq, %arg0, %eq3A_120 : i32
        %convert_element_type3A_122 = arith.extui %eq3A_121 : i1 to i32
        %cond3A_123 = arith.constant 0 : i32
        %cond3A_124 = arith.cmpi ne, %convert_element_type3A_122, %cond3A_123 : i32
        scf.if %cond3A_124 {
          %get3A = arith.constant 0 : index
          %get3A_132 = tpu.vector_load %arg16[%get3A] {strides = array<i32>} : memref<80xi32, #tpu.memory_space<vmem>>, vector<16xi32>,
          %broadcast_in_dim3A = arith.constant true
          %broadcast_in_dim3A_133 = vector.broadcast %broadcast_in_dim3A : i1 to vector<16xi1>
          %unique3A, %unique3A_134 = tpu.scan_count mask(%broadcast_in_dim3A_133 : vector<16xi1>) value(%get3A_132 : vector<16xi32>) : vector<16xi1>, vector<16xi32>
          %convert_element_type3A_135 = arith.sitofp %unique3A_134 : vector<16xi32> to vector<16xf32>
          tpu.vector_store_idx %arg19[%get3A_132], %convert_element_type3A_135 masked %unique3A {add = true} : memref<10240xf32, #tpu.memory_space<vmem>>[vector<16xi32>], vector<16xf32>, vector<16xi1>
          %get3A_136 = arith.constant 16 : index
          %get3A_137 = tpu.vector_load %arg16[%get3A_136] {strides = array<i32>} : memref<80xi32, #tpu.memory_space<vmem>>, vector<16xi32>,
          %broadcast_in_dim3A_138 = arith.constant true
          %broadcast_in_dim3A_139 = vector.broadcast %broadcast_in_dim3A_138 : i1 to vector<16xi1>
          %unique3A_140, %unique3A_141 = tpu.scan_count mask(%broadcast_in_dim3A_139 : vector<16xi1>) value(%get3A_137 : vector<16xi32>) : vector<16xi1>, vector<16xi32>
          %convert_element_type3A_142 = arith.sitofp %unique3A_141 : vector<16xi32> to vector<16xf32>
          tpu.vector_store_idx %arg19[%get3A_137], %convert_element_type3A_142 masked %unique3A_140 {add = true} : memref<10240xf32, #tpu.memory_space<vmem>>[vector<16xi32>], vector<16xf32>, vector<16xi1>
          %get3A_143 = arith.constant 32 : index
          %get3A_144 = tpu.vector_load %arg16[%get3A_143] {strides = array<i32>} : memref<80xi32, #tpu.memory_space<vmem>>, vector<16xi32>,
          %broadcast_in_dim3A_145 = arith.constant true
          %broadcast_in_dim3A_146 = vector.broadcast %broadcast_in_dim3A_145 : i1 to vector<16xi1>
          %unique3A_147, %unique3A_148 = tpu.scan_count mask(%broadcast_in_dim3A_146 : vector<16xi1>) value(%get3A_144 : vector<16xi32>) : vector<16xi1>, vector<16xi32>
          %convert_element_type3A_149 = arith.sitofp %unique3A_148 : vector<16xi32> to vector<16xf32>
          tpu.vector_store_idx %arg19[%get3A_144], %convert_element_type3A_149 masked %unique3A_147 {add = true} : memref<10240xf32, #tpu.memory_space<vmem>>[vector<16xi32>], vector<16xf32>, vector<16xi1>
          %get3A_150 = arith.constant 48 : index
          %get3A_151 = tpu.vector_load %arg16[%get3A_150] {strides = array<i32>} : memref<80xi32, #tpu.memory_space<vmem>>, vector<16xi32>,
          %broadcast_in_dim3A_152 = arith.constant true
          %broadcast_in_dim3A_153 = vector.broadcast %broadcast_in_dim3A_152 : i1 to vector<16xi1>
          %unique3A_154, %unique3A_155 = tpu.scan_count mask(%broadcast_in_dim3A_153 : vector<16xi1>) value(%get3A_151 : vector<16xi32>) : vector<16xi1>, vector<16xi32>
          %convert_element_type3A_156 = arith.sitofp %unique3A_155 : vector<16xi32> to vector<16xf32>
          tpu.vector_store_idx %arg19[%get3A_151], %convert_element_type3A_156 masked %unique3A_154 {add = true} : memref<10240xf32, #tpu.memory_space<vmem>>[vector<16xi32>], vector<16xf32>, vector<16xi1>
          %get3A_157 = arith.constant 64 : index
          %get3A_158 = tpu.vector_load %arg16[%get3A_157] {strides = array<i32>} : memref<80xi32, #tpu.memory_space<vmem>>, vector<16xi32>,
          %broadcast_in_dim3A_159 = arith.constant true
          %broadcast_in_dim3A_160 = vector.broadcast %broadcast_in_dim3A_159 : i1 to vector<16xi1>
          %unique3A_161, %unique3A_162 = tpu.scan_count mask(%broadcast_in_dim3A_160 : vector<16xi1>) value(%get3A_158 : vector<16xi32>) : vector<16xi1>, vector<16xi32>
          %convert_element_type3A_163 = arith.sitofp %unique3A_162 : vector<16xi32> to vector<16xf32>
          tpu.vector_store_idx %arg19[%get3A_158], %convert_element_type3A_163 masked %unique3A_161 {add = true} : memref<10240xf32, #tpu.memory_space<vmem>>[vector<16xi32>], vector<16xf32>, vector<16xi1>
        } else {
        }
        %add3A_125 = arith.constant 3 : i32
        %add3A_126 = arith.addi %mul3A_89, %add3A_125 : i32
        %lt3A_127 = arith.constant 250 : i32
        %lt3A_128 = arith.cmpi slt, %add3A_126, %lt3A_127 : i32
        %convert_element_type3A_129 = arith.extui %lt3A_128 : i1 to i32
        %cond3A_130 = arith.constant 0 : i32
        %cond3A_131 = arith.cmpi ne, %convert_element_type3A_129, %cond3A_130 : i32
        scf.if %cond3A_131 {
          %add3A_132 = arith.constant 3 : i32
          %add3A_133 = arith.addi %mul3A_89, %add3A_132 : i32
          %mul3A_134 = arith.constant 20000 : i32
          %mul3A_135 = arith.muli %arg1, %mul3A_134 : i32
          %mul3A_136 = arith.constant 80 : i32
          %mul3A_137 = arith.muli %add3A_133, %mul3A_136 : i32
          %add3A_138 = arith.addi %mul3A_135, %mul3A_137 : i32
          %dma_start3A_139 = tpu.memref_slice %arg7[%add3A_138] : memref<320000xi32, #tpu.memory_space<hbm>> -> memref<80xi32, #tpu.memory_space<hbm>>
          %dma_start3A_140 = tpu.memref_slice %arg7[%add3A_138] : memref<320000xi32, #tpu.memory_space<hbm>> -> memref<80xi32, #tpu.memory_space<hbm>>
          tpu.enqueue_dma source(%dma_start3A_140 : memref<80xi32, #tpu.memory_space<hbm>>) target(%arg16 : memref<80xi32, #tpu.memory_space<vmem>>) target_semaphore(%arg23 : memref<!tpu.dma_semaphore, #tpu.memory_space<semaphore_mem>>)
          %add3A_141 = arith.constant 3 : i32
          %add3A_142 = arith.addi %mul3A_89, %add3A_141 : i32
          %mul3A_143 = arith.constant 80 : i32
          %mul3A_144 = arith.muli %add3A_142, %mul3A_143 : i32
          %dma_start3A_145 = tpu.memref_slice %arg14[%mul3A_144] : memref<20000xi32, #tpu.memory_space<vmem>> -> memref<80xi32, #tpu.memory_space<vmem>>
          %dma_start3A_146 = arith.constant 0 : i32
          %dma_start3A_147 = arith.constant 0 : i32
          %dma_start3A_148 = tpu.memref_slice %arg2[%dma_start3A_146, %dma_start3A_147] : memref<10000x128xf32, #tpu.memory_space<hbm>> -> memref<10000x128xf32, #tpu.memory_space<hbm>>
          tpu.enqueue_indirect_dma source(%dma_start3A_148 : memref<10000x128xf32, #tpu.memory_space<hbm>>) target(%arg18 : memref<80x128xf32, #tpu.memory_space<vmem>>) offsets(%dma_start3A_145 : memref<80xi32, #tpu.memory_space<vmem>>) semaphore(%arg21 : memref<!tpu.dma_semaphore, #tpu.memory_space<semaphore_mem>>)
        } else {
        }
      }
      %scan3A_86 = arith.constant 125 : i32
    } else {
    }
    %eq3A_20 = arith.constant 1 : i32
    %eq3A_21 = arith.cmpi eq, %arg0, %eq3A_20 : i32
    %convert_element_type3A_22 = arith.extui %eq3A_21 : i1 to i32
    %cond3A_23 = arith.constant 0 : i32
    %cond3A_24 = arith.cmpi ne, %convert_element_type3A_22, %cond3A_23 : i32
    scf.if %cond3A_24 {
      %mul3A_61 = arith.constant 20000 : i32
      %mul3A_62 = arith.muli %arg1, %mul3A_61 : i32
      %add3A = arith.constant 0 : i32
      %add3A_63 = arith.addi %mul3A_62, %add3A : i32
      %dma_start3A = tpu.memref_slice %arg7[%add3A_63] : memref<320000xi32, #tpu.memory_space<hbm>> -> memref<80xi32, #tpu.memory_space<hbm>>
      %dma_start3A_64 = tpu.memref_slice %arg7[%add3A_63] : memref<320000xi32, #tpu.memory_space<hbm>> -> memref<80xi32, #tpu.memory_space<hbm>>
      tpu.enqueue_dma source(%dma_start3A_64 : memref<80xi32, #tpu.memory_space<hbm>>) target(%arg15 : memref<80xi32, #tpu.memory_space<vmem>>) target_semaphore(%arg22 : memref<!tpu.dma_semaphore, #tpu.memory_space<semaphore_mem>>)
      %mul3A_65 = arith.constant 20000 : i32
      %mul3A_66 = arith.muli %arg1, %mul3A_65 : i32
      %add3A_67 = arith.constant 80 : i32
      %add3A_68 = arith.addi %mul3A_66, %add3A_67 : i32
      %dma_start3A_69 = tpu.memref_slice %arg7[%add3A_68] : memref<320000xi32, #tpu.memory_space<hbm>> -> memref<80xi32, #tpu.memory_space<hbm>>
      %dma_start3A_70 = tpu.memref_slice %arg7[%add3A_68] : memref<320000xi32, #tpu.memory_space<hbm>> -> memref<80xi32, #tpu.memory_space<hbm>>
      tpu.enqueue_dma source(%dma_start3A_70 : memref<80xi32, #tpu.memory_space<hbm>>) target(%arg16 : memref<80xi32, #tpu.memory_space<vmem>>) target_semaphore(%arg23 : memref<!tpu.dma_semaphore, #tpu.memory_space<semaphore_mem>>)
      %dma_start3A_71 = arith.constant 0 : i32
      %dma_start3A_72 = tpu.memref_slice %arg14[%dma_start3A_71] : memref<20000xi32, #tpu.memory_space<vmem>> -> memref<80xi32, #tpu.memory_space<vmem>>
      %dma_start3A_73 = arith.constant 0 : i32
      %dma_start3A_74 = arith.constant 0 : i32
      %dma_start3A_75 = tpu.memref_slice %arg4[%dma_start3A_73, %dma_start3A_74] : memref<10000x128xf32, #tpu.memory_space<hbm>> -> memref<10000x128xf32, #tpu.memory_space<hbm>>
      tpu.enqueue_indirect_dma source(%dma_start3A_75 : memref<10000x128xf32, #tpu.memory_space<hbm>>) target(%arg17 : memref<80x128xf32, #tpu.memory_space<vmem>>) offsets(%dma_start3A_72 : memref<80xi32, #tpu.memory_space<vmem>>) semaphore(%arg20 : memref<!tpu.dma_semaphore, #tpu.memory_space<semaphore_mem>>)
      %dma_start3A_76 = arith.constant 80 : i32
      %dma_start3A_77 = tpu.memref_slice %arg14[%dma_start3A_76] : memref<20000xi32, #tpu.memory_space<vmem>> -> memref<80xi32, #tpu.memory_space<vmem>>
      %dma_start3A_78 = arith.constant 0 : i32
      %dma_start3A_79 = arith.constant 0 : i32
      %dma_start3A_80 = tpu.memref_slice %arg4[%dma_start3A_78, %dma_start3A_79] : memref<10000x128xf32, #tpu.memory_space<hbm>> -> memref<10000x128xf32, #tpu.memory_space<hbm>>
      tpu.enqueue_indirect_dma source(%dma_start3A_80 : memref<10000x128xf32, #tpu.memory_space<hbm>>) target(%arg18 : memref<80x128xf32, #tpu.memory_space<vmem>>) offsets(%dma_start3A_77 : memref<80xi32, #tpu.memory_space<vmem>>) semaphore(%arg21 : memref<!tpu.dma_semaphore, #tpu.memory_space<semaphore_mem>>)
      %scan3A_81 = arith.constant 0 : i32
      %scan3A_82 = arith.constant 0 : i32
      %scan3A_83 = arith.constant 125 : i32
      %scan3A_84 = arith.addi %scan3A_82, %scan3A_83 : i32
      %scan3A_85 = arith.constant 1 : i32
      scf.for %scan3A_87 = %scan3A_82 to %scan3A_84 step %scan3A_85  : i32 {
        %mul3A_88 = arith.constant 2 : i32
        %mul3A_89 = arith.muli %mul3A_88, %scan3A_87 : i32
        %dma_wait3A = arith.constant 0 : i32
        %dma_wait3A_90 = arith.constant 0 : i32
        %dma_wait3A_91 = tpu.memref_slice %arg2[%dma_wait3A, %dma_wait3A_90] : memref<10000x128xf32, #tpu.memory_space<hbm>> -> memref<80x128xf32, #tpu.memory_space<hbm>>
        %dma_wait3A_92 = arith.constant 0 : i32
        %dma_wait3A_93 = arith.constant 0 : i32
        %dma_wait3A_94 = tpu.memref_slice %arg2[%dma_wait3A_92, %dma_wait3A_93] : memref<10000x128xf32, #tpu.memory_space<hbm>> -> memref<80x128xf32, #tpu.memory_space<hbm>>
        tpu.wait_dma2 semaphore(%arg20 : memref<!tpu.dma_semaphore, #tpu.memory_space<semaphore_mem>>) src(%dma_wait3A_94 : memref<80x128xf32, #tpu.memory_space<hbm>>) dst(%arg17 : memref<80x128xf32, #tpu.memory_space<vmem>>)
        %dma_wait3A_95 = arith.constant 0 : i32
        %dma_wait3A_96 = tpu.memref_slice %arg7[%dma_wait3A_95] : memref<320000xi32, #tpu.memory_space<hbm>> -> memref<80xi32, #tpu.memory_space<hbm>>
        %dma_wait3A_97 = arith.constant 0 : i32
        %dma_wait3A_98 = tpu.memref_slice %arg7[%dma_wait3A_97] : memref<320000xi32, #tpu.memory_space<hbm>> -> memref<80xi32, #tpu.memory_space<hbm>>
        tpu.wait_dma2 semaphore(%arg22 : memref<!tpu.dma_semaphore, #tpu.memory_space<semaphore_mem>>) src(%dma_wait3A_98 : memref<80xi32, #tpu.memory_space<hbm>>) dst(%arg15 : memref<80xi32, #tpu.memory_space<vmem>>)
        "tpu.region"() ({
          %run_scoped3A = tpu.sem_alloc : memref<!tpu.dma_semaphore, #tpu.memory_space<semaphore_mem>>
          %dma_start3A_122 = arith.constant 0 : i32
          %dma_start3A_123 = arith.constant 0 : i32
          %dma_start3A_124 = tpu.memref_slice %arg13[%dma_start3A_122, %dma_start3A_123] : memref<10000x128xf32, #tpu.memory_space<vmem_shared>> -> memref<10000x128xf32, #tpu.memory_space<vmem_shared>>
          tpu.enqueue_indirect_dma source(%arg17 : memref<80x128xf32, #tpu.memory_space<vmem>>) target(%dma_start3A_124 : memref<10000x128xf32, #tpu.memory_space<vmem_shared>>) offsets(%arg15 : memref<80xi32, #tpu.memory_space<vmem>>) semaphore(%run_scoped3A : memref<!tpu.dma_semaphore, #tpu.memory_space<semaphore_mem>>) {add = true}
          %dma_wait3A_125 = arith.constant 0 : i32
          %dma_wait3A_126 = arith.constant 0 : i32
          %dma_wait3A_127 = tpu.memref_slice %arg13[%dma_wait3A_125, %dma_wait3A_126] : memref<10000x128xf32, #tpu.memory_space<vmem_shared>> -> memref<10000x128xf32, #tpu.memory_space<vmem_shared>>
          tpu.wait_indirect_dma semaphore(%run_scoped3A : memref<!tpu.dma_semaphore, #tpu.memory_space<semaphore_mem>>) src(%arg17 : memref<80x128xf32, #tpu.memory_space<vmem>>) dst(%dma_wait3A_127 : memref<10000x128xf32, #tpu.memory_space<vmem_shared>>)
          tpu.yield
        }) : () -> ()
        %add3A_99 = arith.constant 2 : i32
        %add3A_100 = arith.addi %mul3A_89, %add3A_99 : i32
        %lt3A = arith.constant 250 : i32
        %lt3A_101 = arith.cmpi slt, %add3A_100, %lt3A : i32
        %convert_element_type3A_102 = arith.extui %lt3A_101 : i1 to i32
        %cond3A_103 = arith.constant 0 : i32
        %cond3A_104 = arith.cmpi ne, %convert_element_type3A_102, %cond3A_103 : i32
        scf.if %cond3A_104 {
          %add3A_122 = arith.constant 2 : i32
          %add3A_123 = arith.addi %mul3A_89, %add3A_122 : i32
          %mul3A_124 = arith.constant 20000 : i32
          %mul3A_125 = arith.muli %arg1, %mul3A_124 : i32
          %mul3A_126 = arith.constant 80 : i32
          %mul3A_127 = arith.muli %add3A_123, %mul3A_126 : i32
          %add3A_128 = arith.addi %mul3A_125, %mul3A_127 : i32
          %dma_start3A_129 = tpu.memref_slice %arg7[%add3A_128] : memref<320000xi32, #tpu.memory_space<hbm>> -> memref<80xi32, #tpu.memory_space<hbm>>
          %dma_start3A_130 = tpu.memref_slice %arg7[%add3A_128] : memref<320000xi32, #tpu.memory_space<hbm>> -> memref<80xi32, #tpu.memory_space<hbm>>
          tpu.enqueue_dma source(%dma_start3A_130 : memref<80xi32, #tpu.memory_space<hbm>>) target(%arg15 : memref<80xi32, #tpu.memory_space<vmem>>) target_semaphore(%arg22 : memref<!tpu.dma_semaphore, #tpu.memory_space<semaphore_mem>>)
          %add3A_131 = arith.constant 2 : i32
          %add3A_132 = arith.addi %mul3A_89, %add3A_131 : i32
          %mul3A_133 = arith.constant 80 : i32
          %mul3A_134 = arith.muli %add3A_132, %mul3A_133 : i32
          %dma_start3A_135 = tpu.memref_slice %arg14[%mul3A_134] : memref<20000xi32, #tpu.memory_space<vmem>> -> memref<80xi32, #tpu.memory_space<vmem>>
          %dma_start3A_136 = arith.constant 0 : i32
          %dma_start3A_137 = arith.constant 0 : i32
          %dma_start3A_138 = tpu.memref_slice %arg4[%dma_start3A_136, %dma_start3A_137] : memref<10000x128xf32, #tpu.memory_space<hbm>> -> memref<10000x128xf32, #tpu.memory_space<hbm>>
          tpu.enqueue_indirect_dma source(%dma_start3A_138 : memref<10000x128xf32, #tpu.memory_space<hbm>>) target(%arg17 : memref<80x128xf32, #tpu.memory_space<vmem>>) offsets(%dma_start3A_135 : memref<80xi32, #tpu.memory_space<vmem>>) semaphore(%arg20 : memref<!tpu.dma_semaphore, #tpu.memory_space<semaphore_mem>>)
        } else {
        }
        %dma_wait3A_105 = arith.constant 0 : i32
        %dma_wait3A_106 = arith.constant 0 : i32
        %dma_wait3A_107 = tpu.memref_slice %arg2[%dma_wait3A_105, %dma_wait3A_106] : memref<10000x128xf32, #tpu.memory_space<hbm>> -> memref<80x128xf32, #tpu.memory_space<hbm>>
        %dma_wait3A_108 = arith.constant 0 : i32
        %dma_wait3A_109 = arith.constant 0 : i32
        %dma_wait3A_110 = tpu.memref_slice %arg2[%dma_wait3A_108, %dma_wait3A_109] : memref<10000x128xf32, #tpu.memory_space<hbm>> -> memref<80x128xf32, #tpu.memory_space<hbm>>
        tpu.wait_dma2 semaphore(%arg21 : memref<!tpu.dma_semaphore, #tpu.memory_space<semaphore_mem>>) src(%dma_wait3A_110 : memref<80x128xf32, #tpu.memory_space<hbm>>) dst(%arg18 : memref<80x128xf32, #tpu.memory_space<vmem>>)
        %dma_wait3A_111 = arith.constant 0 : i32
        %dma_wait3A_112 = tpu.memref_slice %arg7[%dma_wait3A_111] : memref<320000xi32, #tpu.memory_space<hbm>> -> memref<80xi32, #tpu.memory_space<hbm>>
        %dma_wait3A_113 = arith.constant 0 : i32
        %dma_wait3A_114 = tpu.memref_slice %arg7[%dma_wait3A_113] : memref<320000xi32, #tpu.memory_space<hbm>> -> memref<80xi32, #tpu.memory_space<hbm>>
        tpu.wait_dma2 semaphore(%arg23 : memref<!tpu.dma_semaphore, #tpu.memory_space<semaphore_mem>>) src(%dma_wait3A_114 : memref<80xi32, #tpu.memory_space<hbm>>) dst(%arg16 : memref<80xi32, #tpu.memory_space<vmem>>)
        "tpu.region"() ({
          %run_scoped3A = tpu.sem_alloc : memref<!tpu.dma_semaphore, #tpu.memory_space<semaphore_mem>>
          %dma_start3A_122 = arith.constant 0 : i32
          %dma_start3A_123 = arith.constant 0 : i32
          %dma_start3A_124 = tpu.memref_slice %arg13[%dma_start3A_122, %dma_start3A_123] : memref<10000x128xf32, #tpu.memory_space<vmem_shared>> -> memref<10000x128xf32, #tpu.memory_space<vmem_shared>>
          tpu.enqueue_indirect_dma source(%arg18 : memref<80x128xf32, #tpu.memory_space<vmem>>) target(%dma_start3A_124 : memref<10000x128xf32, #tpu.memory_space<vmem_shared>>) offsets(%arg16 : memref<80xi32, #tpu.memory_space<vmem>>) semaphore(%run_scoped3A : memref<!tpu.dma_semaphore, #tpu.memory_space<semaphore_mem>>) {add = true}
          %dma_wait3A_125 = arith.constant 0 : i32
          %dma_wait3A_126 = arith.constant 0 : i32
          %dma_wait3A_127 = tpu.memref_slice %arg13[%dma_wait3A_125, %dma_wait3A_126] : memref<10000x128xf32, #tpu.memory_space<vmem_shared>> -> memref<10000x128xf32, #tpu.memory_space<vmem_shared>>
          tpu.wait_indirect_dma semaphore(%run_scoped3A : memref<!tpu.dma_semaphore, #tpu.memory_space<semaphore_mem>>) src(%arg18 : memref<80x128xf32, #tpu.memory_space<vmem>>) dst(%dma_wait3A_127 : memref<10000x128xf32, #tpu.memory_space<vmem_shared>>)
          tpu.yield
        }) : () -> ()
        %add3A_115 = arith.constant 3 : i32
        %add3A_116 = arith.addi %mul3A_89, %add3A_115 : i32
        %lt3A_117 = arith.constant 250 : i32
        %lt3A_118 = arith.cmpi slt, %add3A_116, %lt3A_117 : i32
        %convert_element_type3A_119 = arith.extui %lt3A_118 : i1 to i32
        %cond3A_120 = arith.constant 0 : i32
        %cond3A_121 = arith.cmpi ne, %convert_element_type3A_119, %cond3A_120 : i32
        scf.if %cond3A_121 {
          %add3A_122 = arith.constant 3 : i32
          %add3A_123 = arith.addi %mul3A_89, %add3A_122 : i32
          %mul3A_124 = arith.constant 20000 : i32
          %mul3A_125 = arith.muli %arg1, %mul3A_124 : i32
          %mul3A_126 = arith.constant 80 : i32
          %mul3A_127 = arith.muli %add3A_123, %mul3A_126 : i32
          %add3A_128 = arith.addi %mul3A_125, %mul3A_127 : i32
          %dma_start3A_129 = tpu.memref_slice %arg7[%add3A_128] : memref<320000xi32, #tpu.memory_space<hbm>> -> memref<80xi32, #tpu.memory_space<hbm>>
          %dma_start3A_130 = tpu.memref_slice %arg7[%add3A_128] : memref<320000xi32, #tpu.memory_space<hbm>> -> memref<80xi32, #tpu.memory_space<hbm>>
          tpu.enqueue_dma source(%dma_start3A_130 : memref<80xi32, #tpu.memory_space<hbm>>) target(%arg16 : memref<80xi32, #tpu.memory_space<vmem>>) target_semaphore(%arg23 : memref<!tpu.dma_semaphore, #tpu.memory_space<semaphore_mem>>)
          %add3A_131 = arith.constant 3 : i32
          %add3A_132 = arith.addi %mul3A_89, %add3A_131 : i32
          %mul3A_133 = arith.constant 80 : i32
          %mul3A_134 = arith.muli %add3A_132, %mul3A_133 : i32
          %dma_start3A_135 = tpu.memref_slice %arg14[%mul3A_134] : memref<20000xi32, #tpu.memory_space<vmem>> -> memref<80xi32, #tpu.memory_space<vmem>>
          %dma_start3A_136 = arith.constant 0 : i32
          %dma_start3A_137 = arith.constant 0 : i32
          %dma_start3A_138 = tpu.memref_slice %arg4[%dma_start3A_136, %dma_start3A_137] : memref<10000x128xf32, #tpu.memory_space<hbm>> -> memref<10000x128xf32, #tpu.memory_space<hbm>>
          tpu.enqueue_indirect_dma source(%dma_start3A_138 : memref<10000x128xf32, #tpu.memory_space<hbm>>) target(%arg18 : memref<80x128xf32, #tpu.memory_space<vmem>>) offsets(%dma_start3A_135 : memref<80xi32, #tpu.memory_space<vmem>>) semaphore(%arg21 : memref<!tpu.dma_semaphore, #tpu.memory_space<semaphore_mem>>)
        } else {
        }
      }
      %scan3A_86 = arith.constant 125 : i32
    } else {
    }
    %eq3A_25 = arith.constant 0 : i32
    %eq3A_26 = arith.cmpi eq, %arg0, %eq3A_25 : i32
    %convert_element_type3A_27 = arith.extui %eq3A_26 : i1 to i32
    %cond3A_28 = arith.constant 0 : i32
    %cond3A_29 = arith.cmpi ne, %convert_element_type3A_27, %cond3A_28 : i32
    scf.if %cond3A_29 {
      "tpu.region"() ({
        %run_scoped3A = tpu.sem_alloc : memref<!tpu.dma_semaphore, #tpu.memory_space<semaphore_mem>>
        %dma_start3A = arith.constant 0 : i32
        %dma_start3A_61 = tpu.memref_slice %arg12[%arg1, %dma_start3A] : memref<16x10240xf32, #tpu.memory_space<hbm>> -> memref<1x10240xf32, #tpu.memory_space<hbm>>
        %dma_start3A_62 = tpu.memref_squeeze %dma_start3A_61 : memref<1x10240xf32, #tpu.memory_space<hbm>> -> memref<10240xf32, #tpu.memory_space<hbm>>
        %dma_start3A_63 = arith.constant 0 : i32
        %dma_start3A_64 = tpu.memref_slice %arg12[%arg1, %dma_start3A_63] : memref<16x10240xf32, #tpu.memory_space<hbm>> -> memref<1x10240xf32, #tpu.memory_space<hbm>>
        %dma_start3A_65 = tpu.memref_squeeze %dma_start3A_64 : memref<1x10240xf32, #tpu.memory_space<hbm>> -> memref<10240xf32, #tpu.memory_space<hbm>>
        tpu.enqueue_dma source(%arg19 : memref<10240xf32, #tpu.memory_space<vmem>>) target(%dma_start3A_65 : memref<10240xf32, #tpu.memory_space<hbm>>) target_semaphore(%run_scoped3A : memref<!tpu.dma_semaphore, #tpu.memory_space<semaphore_mem>>)
        %dma_wait3A = arith.constant 0 : i32
        %dma_wait3A_66 = tpu.memref_slice %arg12[%arg1, %dma_wait3A] : memref<16x10240xf32, #tpu.memory_space<hbm>> -> memref<1x10240xf32, #tpu.memory_space<hbm>>
        %dma_wait3A_67 = tpu.memref_squeeze %dma_wait3A_66 : memref<1x10240xf32, #tpu.memory_space<hbm>> -> memref<10240xf32, #tpu.memory_space<hbm>>
        %dma_wait3A_68 = arith.constant 0 : i32
        %dma_wait3A_69 = tpu.memref_slice %arg12[%arg1, %dma_wait3A_68] : memref<16x10240xf32, #tpu.memory_space<hbm>> -> memref<1x10240xf32, #tpu.memory_space<hbm>>
        %dma_wait3A_70 = tpu.memref_squeeze %dma_wait3A_69 : memref<1x10240xf32, #tpu.memory_space<hbm>> -> memref<10240xf32, #tpu.memory_space<hbm>>
        tpu.wait_dma2 semaphore(%run_scoped3A : memref<!tpu.dma_semaphore, #tpu.memory_space<semaphore_mem>>) src(%arg19 : memref<10240xf32, #tpu.memory_space<vmem>>) dst(%dma_wait3A_70 : memref<10240xf32, #tpu.memory_space<hbm>>)
        tpu.yield
      }) : () -> ()
    } else {
    }
    %scan3A_30 = arith.constant 0.000000e+00 : f32
    %scan3A_31 = arith.constant 0 : i32
    %scan3A_32 = arith.constant 80 : i32
    %scan3A_33 = arith.addi %scan3A_31, %scan3A_32 : i32
    %scan3A_34 = arith.constant 1 : i32
    scf.for %scan3A_61 = %scan3A_31 to %scan3A_33 step %scan3A_34  : i32 {
      %broadcast_in_dim3A = vector.broadcast %scan3A_30 : f32 to vector<16xf32>
      %swap3A = arith.index_cast %scan3A_61 : i32 to index
      %swap3A_62 = arith.constant 0 : index
      %swap3A_63 = tpu.vector_load %arg17[%swap3A, %swap3A_62] {strides = array<i32>} : memref<80x128xf32, #tpu.memory_space<vmem>>, vector<16xf32>,
      tpu.vector_store %arg17[%swap3A, %swap3A_62], %broadcast_in_dim3A {strides = array<i32>} : memref<80x128xf32, #tpu.memory_space<vmem>>, vector<16xf32>,
      %broadcast_in_dim3A_64 = vector.broadcast %scan3A_30 : f32 to vector<16xf32>
      %swap3A_65 = arith.index_cast %scan3A_61 : i32 to index
      %swap3A_66 = arith.constant 16 : index
      %swap3A_67 = tpu.vector_load %arg17[%swap3A_65, %swap3A_66] {strides = array<i32>} : memref<80x128xf32, #tpu.memory_space<vmem>>, vector<16xf32>,
      tpu.vector_store %arg17[%swap3A_65, %swap3A_66], %broadcast_in_dim3A_64 {strides = array<i32>} : memref<80x128xf32, #tpu.memory_space<vmem>>, vector<16xf32>,
      %broadcast_in_dim3A_68 = vector.broadcast %scan3A_30 : f32 to vector<16xf32>
      %swap3A_69 = arith.index_cast %scan3A_61 : i32 to index
      %swap3A_70 = arith.constant 32 : index
      %swap3A_71 = tpu.vector_load %arg17[%swap3A_69, %swap3A_70] {strides = array<i32>} : memref<80x128xf32, #tpu.memory_space<vmem>>, vector<16xf32>,
      tpu.vector_store %arg17[%swap3A_69, %swap3A_70], %broadcast_in_dim3A_68 {strides = array<i32>} : memref<80x128xf32, #tpu.memory_space<vmem>>, vector<16xf32>,
      %broadcast_in_dim3A_72 = vector.broadcast %scan3A_30 : f32 to vector<16xf32>
      %swap3A_73 = arith.index_cast %scan3A_61 : i32 to index
      %swap3A_74 = arith.constant 48 : index
      %swap3A_75 = tpu.vector_load %arg17[%swap3A_73, %swap3A_74] {strides = array<i32>} : memref<80x128xf32, #tpu.memory_space<vmem>>, vector<16xf32>,
      tpu.vector_store %arg17[%swap3A_73, %swap3A_74], %broadcast_in_dim3A_72 {strides = array<i32>} : memref<80x128xf32, #tpu.memory_space<vmem>>, vector<16xf32>,
      %broadcast_in_dim3A_76 = vector.broadcast %scan3A_30 : f32 to vector<16xf32>
      %swap3A_77 = arith.index_cast %scan3A_61 : i32 to index
      %swap3A_78 = arith.constant 64 : index
      %swap3A_79 = tpu.vector_load %arg17[%swap3A_77, %swap3A_78] {strides = array<i32>} : memref<80x128xf32, #tpu.memory_space<vmem>>, vector<16xf32>,
      tpu.vector_store %arg17[%swap3A_77, %swap3A_78], %broadcast_in_dim3A_76 {strides = array<i32>} : memref<80x128xf32, #tpu.memory_space<vmem>>, vector<16xf32>,
      %broadcast_in_dim3A_80 = vector.broadcast %scan3A_30 : f32 to vector<16xf32>
      %swap3A_81 = arith.index_cast %scan3A_61 : i32 to index
      %swap3A_82 = arith.constant 80 : index
      %swap3A_83 = tpu.vector_load %arg17[%swap3A_81, %swap3A_82] {strides = array<i32>} : memref<80x128xf32, #tpu.memory_space<vmem>>, vector<16xf32>,
      tpu.vector_store %arg17[%swap3A_81, %swap3A_82], %broadcast_in_dim3A_80 {strides = array<i32>} : memref<80x128xf32, #tpu.memory_space<vmem>>, vector<16xf32>,
      %broadcast_in_dim3A_84 = vector.broadcast %scan3A_30 : f32 to vector<16xf32>
      %swap3A_85 = arith.index_cast %scan3A_61 : i32 to index
      %swap3A_86 = arith.constant 96 : index
      %swap3A_87 = tpu.vector_load %arg17[%swap3A_85, %swap3A_86] {strides = array<i32>} : memref<80x128xf32, #tpu.memory_space<vmem>>, vector<16xf32>,
      tpu.vector_store %arg17[%swap3A_85, %swap3A_86], %broadcast_in_dim3A_84 {strides = array<i32>} : memref<80x128xf32, #tpu.memory_space<vmem>>, vector<16xf32>,
      %broadcast_in_dim3A_88 = vector.broadcast %scan3A_30 : f32 to vector<16xf32>
      %swap3A_89 = arith.index_cast %scan3A_61 : i32 to index
      %swap3A_90 = arith.constant 112 : index
      %swap3A_91 = tpu.vector_load %arg17[%swap3A_89, %swap3A_90] {strides = array<i32>} : memref<80x128xf32, #tpu.memory_space<vmem>>, vector<16xf32>,
      tpu.vector_store %arg17[%swap3A_89, %swap3A_90], %broadcast_in_dim3A_88 {strides = array<i32>} : memref<80x128xf32, #tpu.memory_space<vmem>>, vector<16xf32>,
    }
    %scan3A_35 = arith.constant 80 : i32
    %barrier3A_36 = arith.constant 0 : index
    tpu.barrier barrier_id(%barrier3A_36)
    %scan3A_37 = arith.constant 0 : i32
    %scan3A_38 = arith.constant 0 : i32
    %scan3A_39 = arith.constant 8 : i32
    %scan3A_40 = arith.addi %scan3A_38, %scan3A_39 : i32
    %scan3A_41 = arith.constant 1 : i32
    scf.for %scan3A_61 = %scan3A_38 to %scan3A_40 step %scan3A_41  : i32 {
      %mul3A_62 = arith.constant 16 : i32
      %mul3A_63 = arith.muli %mul3A_62, %scan3A_61 : i32
      %add3A = arith.addi %arg1, %mul3A_63 : i32
      %lt3A = arith.constant 125 : i32
      %lt3A_64 = arith.cmpi slt, %add3A, %lt3A : i32
      %convert_element_type3A_65 = arith.extui %lt3A_64 : i1 to i32
      %cond3A_66 = arith.constant 0 : i32
      %cond3A_67 = arith.cmpi ne, %convert_element_type3A_65, %cond3A_66 : i32
      scf.if %cond3A_67 {
        %mul3A_68 = arith.constant 80 : i32
        %mul3A_69 = arith.muli %add3A, %mul3A_68 : i32
        %eq3A_70 = arith.constant 0 : i32
        %eq3A_71 = arith.cmpi eq, %arg0, %eq3A_70 : i32
        %convert_element_type3A_72 = arith.extui %eq3A_71 : i1 to i32
        %cond3A_73 = arith.constant 0 : i32
        %cond3A_74 = arith.cmpi ne, %convert_element_type3A_72, %cond3A_73 : i32
        scf.if %cond3A_74 {
          "tpu.region"() ({
            %run_scoped3A = tpu.sem_alloc : memref<!tpu.dma_semaphore, #tpu.memory_space<semaphore_mem>>
            %dma_start3A = arith.constant 0 : i32
            %dma_start3A_80 = tpu.memref_slice %arg8[%mul3A_69, %dma_start3A] : memref<10000x128xf32, #tpu.memory_space<hbm>> -> memref<80x128xf32, #tpu.memory_space<hbm>>
            %dma_start3A_81 = arith.constant 0 : i32
            %dma_start3A_82 = tpu.memref_slice %arg13[%mul3A_69, %dma_start3A_81] : memref<10000x128xf32, #tpu.memory_space<vmem_shared>> -> memref<80x128xf32, #tpu.memory_space<vmem_shared>>
            tpu.enqueue_dma source(%dma_start3A_82 : memref<80x128xf32, #tpu.memory_space<vmem_shared>>) target(%dma_start3A_80 : memref<80x128xf32, #tpu.memory_space<hbm>>) target_semaphore(%run_scoped3A : memref<!tpu.dma_semaphore, #tpu.memory_space<semaphore_mem>>)
            %dma_wait3A = arith.constant 0 : i32
            %dma_wait3A_83 = tpu.memref_slice %arg8[%mul3A_69, %dma_wait3A] : memref<10000x128xf32, #tpu.memory_space<hbm>> -> memref<80x128xf32, #tpu.memory_space<hbm>>
            %dma_wait3A_84 = arith.constant 0 : i32
            %dma_wait3A_85 = tpu.memref_slice %arg13[%mul3A_69, %dma_wait3A_84] : memref<10000x128xf32, #tpu.memory_space<vmem_shared>> -> memref<80x128xf32, #tpu.memory_space<vmem_shared>>
            tpu.wait_dma2 semaphore(%run_scoped3A : memref<!tpu.dma_semaphore, #tpu.memory_space<semaphore_mem>>) src(%dma_wait3A_85 : memref<80x128xf32, #tpu.memory_space<vmem_shared>>) dst(%dma_wait3A_83 : memref<80x128xf32, #tpu.memory_space<hbm>>)
            tpu.yield
          }) : () -> ()
        } else {
        }
        %eq3A_75 = arith.constant 1 : i32
        %eq3A_76 = arith.cmpi eq, %arg0, %eq3A_75 : i32
        %convert_element_type3A_77 = arith.extui %eq3A_76 : i1 to i32
        %cond3A_78 = arith.constant 0 : i32
        %cond3A_79 = arith.cmpi ne, %convert_element_type3A_77, %cond3A_78 : i32
        scf.if %cond3A_79 {
          "tpu.region"() ({
            %run_scoped3A = tpu.sem_alloc : memref<!tpu.dma_semaphore, #tpu.memory_space<semaphore_mem>>
            %dma_start3A = arith.constant 0 : i32
            %dma_start3A_80 = tpu.memref_slice %arg10[%mul3A_69, %dma_start3A] : memref<10000x128xf32, #tpu.memory_space<hbm>> -> memref<80x128xf32, #tpu.memory_space<hbm>>
            %dma_start3A_81 = arith.constant 0 : i32
            %dma_start3A_82 = tpu.memref_slice %arg13[%mul3A_69, %dma_start3A_81] : memref<10000x128xf32, #tpu.memory_space<vmem_shared>> -> memref<80x128xf32, #tpu.memory_space<vmem_shared>>
            tpu.enqueue_dma source(%dma_start3A_82 : memref<80x128xf32, #tpu.memory_space<vmem_shared>>) target(%dma_start3A_80 : memref<80x128xf32, #tpu.memory_space<hbm>>) target_semaphore(%run_scoped3A : memref<!tpu.dma_semaphore, #tpu.memory_space<semaphore_mem>>)
            %dma_wait3A = arith.constant 0 : i32
            %dma_wait3A_83 = tpu.memref_slice %arg10[%mul3A_69, %dma_wait3A] : memref<10000x128xf32, #tpu.memory_space<hbm>> -> memref<80x128xf32, #tpu.memory_space<hbm>>
            %dma_wait3A_84 = arith.constant 0 : i32
            %dma_wait3A_85 = tpu.memref_slice %arg13[%mul3A_69, %dma_wait3A_84] : memref<10000x128xf32, #tpu.memory_space<vmem_shared>> -> memref<80x128xf32, #tpu.memory_space<vmem_shared>>
            tpu.wait_dma2 semaphore(%run_scoped3A : memref<!tpu.dma_semaphore, #tpu.memory_space<semaphore_mem>>) src(%dma_wait3A_85 : memref<80x128xf32, #tpu.memory_space<vmem_shared>>) dst(%dma_wait3A_83 : memref<80x128xf32, #tpu.memory_space<hbm>>)
            tpu.yield
          }) : () -> ()
        } else {
        }
        "tpu.region"() ({
          %run_scoped3A = tpu.sem_alloc : memref<!tpu.dma_semaphore, #tpu.memory_space<semaphore_mem>>
          %dma_start3A = arith.constant 0 : i32
          %dma_start3A_80 = tpu.memref_slice %arg13[%mul3A_69, %dma_start3A] : memref<10000x128xf32, #tpu.memory_space<vmem_shared>> -> memref<80x128xf32, #tpu.memory_space<vmem_shared>>
          %dma_start3A_81 = arith.constant 0 : i32
          %dma_start3A_82 = tpu.memref_slice %arg13[%mul3A_69, %dma_start3A_81] : memref<10000x128xf32, #tpu.memory_space<vmem_shared>> -> memref<80x128xf32, #tpu.memory_space<vmem_shared>>
          tpu.enqueue_dma source(%arg17 : memref<80x128xf32, #tpu.memory_space<vmem>>) target(%dma_start3A_82 : memref<80x128xf32, #tpu.memory_space<vmem_shared>>) target_semaphore(%run_scoped3A : memref<!tpu.dma_semaphore, #tpu.memory_space<semaphore_mem>>)
          %dma_wait3A = arith.constant 0 : i32
          %dma_wait3A_83 = tpu.memref_slice %arg13[%mul3A_69, %dma_wait3A] : memref<10000x128xf32, #tpu.memory_space<vmem_shared>> -> memref<80x128xf32, #tpu.memory_space<vmem_shared>>
          %dma_wait3A_84 = arith.constant 0 : i32
          %dma_wait3A_85 = tpu.memref_slice %arg13[%mul3A_69, %dma_wait3A_84] : memref<10000x128xf32, #tpu.memory_space<vmem_shared>> -> memref<80x128xf32, #tpu.memory_space<vmem_shared>>
          tpu.wait_dma2 semaphore(%run_scoped3A : memref<!tpu.dma_semaphore, #tpu.memory_space<semaphore_mem>>) src(%arg17 : memref<80x128xf32, #tpu.memory_space<vmem>>) dst(%dma_wait3A_85 : memref<80x128xf32, #tpu.memory_space<vmem_shared>>)
          tpu.yield
        }) : () -> ()
      } else {
      }
    }
    %scan3A_42 = arith.constant 8 : i32
    %barrier3A_43 = arith.constant 0 : index
    tpu.barrier barrier_id(%barrier3A_43)
    %eq3A_44 = arith.constant 0 : i32
    %eq3A_45 = arith.cmpi eq, %arg0, %eq3A_44 : i32
    %convert_element_type3A_46 = arith.extui %eq3A_45 : i1 to i32
    %cond3A_47 = arith.constant 0 : i32
    %cond3A_48 = arith.cmpi ne, %convert_element_type3A_46, %cond3A_47 : i32
    scf.if %cond3A_48 {
      %mul3A_61 = arith.constant 20000 : i32
      %mul3A_62 = arith.muli %arg1, %mul3A_61 : i32
      %add3A = arith.constant 0 : i32
      %add3A_63 = arith.addi %mul3A_62, %add3A : i32
      %dma_start3A = tpu.memref_slice %arg7[%add3A_63] : memref<320000xi32, #tpu.memory_space<hbm>> -> memref<80xi32, #tpu.memory_space<hbm>>
      %dma_start3A_64 = tpu.memref_slice %arg7[%add3A_63] : memref<320000xi32, #tpu.memory_space<hbm>> -> memref<80xi32, #tpu.memory_space<hbm>>
      tpu.enqueue_dma source(%dma_start3A_64 : memref<80xi32, #tpu.memory_space<hbm>>) target(%arg15 : memref<80xi32, #tpu.memory_space<vmem>>) target_semaphore(%arg22 : memref<!tpu.dma_semaphore, #tpu.memory_space<semaphore_mem>>)
      %mul3A_65 = arith.constant 20000 : i32
      %mul3A_66 = arith.muli %arg1, %mul3A_65 : i32
      %add3A_67 = arith.constant 80 : i32
      %add3A_68 = arith.addi %mul3A_66, %add3A_67 : i32
      %dma_start3A_69 = tpu.memref_slice %arg7[%add3A_68] : memref<320000xi32, #tpu.memory_space<hbm>> -> memref<80xi32, #tpu.memory_space<hbm>>
      %dma_start3A_70 = tpu.memref_slice %arg7[%add3A_68] : memref<320000xi32, #tpu.memory_space<hbm>> -> memref<80xi32, #tpu.memory_space<hbm>>
      tpu.enqueue_dma source(%dma_start3A_70 : memref<80xi32, #tpu.memory_space<hbm>>) target(%arg16 : memref<80xi32, #tpu.memory_space<vmem>>) target_semaphore(%arg23 : memref<!tpu.dma_semaphore, #tpu.memory_space<semaphore_mem>>)
      %dma_start3A_71 = arith.constant 0 : i32
      %dma_start3A_72 = tpu.memref_slice %arg14[%dma_start3A_71] : memref<20000xi32, #tpu.memory_space<vmem>> -> memref<80xi32, #tpu.memory_space<vmem>>
      %dma_start3A_73 = arith.constant 0 : i32
      %dma_start3A_74 = arith.constant 0 : i32
      %dma_start3A_75 = tpu.memref_slice %arg3[%dma_start3A_73, %dma_start3A_74] : memref<10000x128xf32, #tpu.memory_space<hbm>> -> memref<10000x128xf32, #tpu.memory_space<hbm>>
      tpu.enqueue_indirect_dma source(%dma_start3A_75 : memref<10000x128xf32, #tpu.memory_space<hbm>>) target(%arg17 : memref<80x128xf32, #tpu.memory_space<vmem>>) offsets(%dma_start3A_72 : memref<80xi32, #tpu.memory_space<vmem>>) semaphore(%arg20 : memref<!tpu.dma_semaphore, #tpu.memory_space<semaphore_mem>>)
      %dma_start3A_76 = arith.constant 80 : i32
      %dma_start3A_77 = tpu.memref_slice %arg14[%dma_start3A_76] : memref<20000xi32, #tpu.memory_space<vmem>> -> memref<80xi32, #tpu.memory_space<vmem>>
      %dma_start3A_78 = arith.constant 0 : i32
      %dma_start3A_79 = arith.constant 0 : i32
      %dma_start3A_80 = tpu.memref_slice %arg3[%dma_start3A_78, %dma_start3A_79] : memref<10000x128xf32, #tpu.memory_space<hbm>> -> memref<10000x128xf32, #tpu.memory_space<hbm>>
      tpu.enqueue_indirect_dma source(%dma_start3A_80 : memref<10000x128xf32, #tpu.memory_space<hbm>>) target(%arg18 : memref<80x128xf32, #tpu.memory_space<vmem>>) offsets(%dma_start3A_77 : memref<80xi32, #tpu.memory_space<vmem>>) semaphore(%arg21 : memref<!tpu.dma_semaphore, #tpu.memory_space<semaphore_mem>>)
      %scan3A_81 = arith.constant 0 : i32
      %scan3A_82 = arith.constant 0 : i32
      %scan3A_83 = arith.constant 125 : i32
      %scan3A_84 = arith.addi %scan3A_82, %scan3A_83 : i32
      %scan3A_85 = arith.constant 1 : i32
      scf.for %scan3A_87 = %scan3A_82 to %scan3A_84 step %scan3A_85  : i32 {
        %mul3A_88 = arith.constant 2 : i32
        %mul3A_89 = arith.muli %mul3A_88, %scan3A_87 : i32
        %dma_wait3A = arith.constant 0 : i32
        %dma_wait3A_90 = arith.constant 0 : i32
        %dma_wait3A_91 = tpu.memref_slice %arg2[%dma_wait3A, %dma_wait3A_90] : memref<10000x128xf32, #tpu.memory_space<hbm>> -> memref<80x128xf32, #tpu.memory_space<hbm>>
        %dma_wait3A_92 = arith.constant 0 : i32
        %dma_wait3A_93 = arith.constant 0 : i32
        %dma_wait3A_94 = tpu.memref_slice %arg2[%dma_wait3A_92, %dma_wait3A_93] : memref<10000x128xf32, #tpu.memory_space<hbm>> -> memref<80x128xf32, #tpu.memory_space<hbm>>
        tpu.wait_dma2 semaphore(%arg20 : memref<!tpu.dma_semaphore, #tpu.memory_space<semaphore_mem>>) src(%dma_wait3A_94 : memref<80x128xf32, #tpu.memory_space<hbm>>) dst(%arg17 : memref<80x128xf32, #tpu.memory_space<vmem>>)
        %dma_wait3A_95 = arith.constant 0 : i32
        %dma_wait3A_96 = tpu.memref_slice %arg7[%dma_wait3A_95] : memref<320000xi32, #tpu.memory_space<hbm>> -> memref<80xi32, #tpu.memory_space<hbm>>
        %dma_wait3A_97 = arith.constant 0 : i32
        %dma_wait3A_98 = tpu.memref_slice %arg7[%dma_wait3A_97] : memref<320000xi32, #tpu.memory_space<hbm>> -> memref<80xi32, #tpu.memory_space<hbm>>
        tpu.wait_dma2 semaphore(%arg22 : memref<!tpu.dma_semaphore, #tpu.memory_space<semaphore_mem>>) src(%dma_wait3A_98 : memref<80xi32, #tpu.memory_space<hbm>>) dst(%arg15 : memref<80xi32, #tpu.memory_space<vmem>>)
        "tpu.region"() ({
          %run_scoped3A = tpu.sem_alloc : memref<!tpu.dma_semaphore, #tpu.memory_space<semaphore_mem>>
          %dma_start3A_122 = arith.constant 0 : i32
          %dma_start3A_123 = arith.constant 0 : i32
          %dma_start3A_124 = tpu.memref_slice %arg13[%dma_start3A_122, %dma_start3A_123] : memref<10000x128xf32, #tpu.memory_space<vmem_shared>> -> memref<10000x128xf32, #tpu.memory_space<vmem_shared>>
          tpu.enqueue_indirect_dma source(%arg17 : memref<80x128xf32, #tpu.memory_space<vmem>>) target(%dma_start3A_124 : memref<10000x128xf32, #tpu.memory_space<vmem_shared>>) offsets(%arg15 : memref<80xi32, #tpu.memory_space<vmem>>) semaphore(%run_scoped3A : memref<!tpu.dma_semaphore, #tpu.memory_space<semaphore_mem>>) {add = true}
          %dma_wait3A_125 = arith.constant 0 : i32
          %dma_wait3A_126 = arith.constant 0 : i32
          %dma_wait3A_127 = tpu.memref_slice %arg13[%dma_wait3A_125, %dma_wait3A_126] : memref<10000x128xf32, #tpu.memory_space<vmem_shared>> -> memref<10000x128xf32, #tpu.memory_space<vmem_shared>>
          tpu.wait_indirect_dma semaphore(%run_scoped3A : memref<!tpu.dma_semaphore, #tpu.memory_space<semaphore_mem>>) src(%arg17 : memref<80x128xf32, #tpu.memory_space<vmem>>) dst(%dma_wait3A_127 : memref<10000x128xf32, #tpu.memory_space<vmem_shared>>)
          tpu.yield
        }) : () -> ()
        %add3A_99 = arith.constant 2 : i32
        %add3A_100 = arith.addi %mul3A_89, %add3A_99 : i32
        %lt3A = arith.constant 250 : i32
        %lt3A_101 = arith.cmpi slt, %add3A_100, %lt3A : i32
        %convert_element_type3A_102 = arith.extui %lt3A_101 : i1 to i32
        %cond3A_103 = arith.constant 0 : i32
        %cond3A_104 = arith.cmpi ne, %convert_element_type3A_102, %cond3A_103 : i32
        scf.if %cond3A_104 {
          %add3A_122 = arith.constant 2 : i32
          %add3A_123 = arith.addi %mul3A_89, %add3A_122 : i32
          %mul3A_124 = arith.constant 20000 : i32
          %mul3A_125 = arith.muli %arg1, %mul3A_124 : i32
          %mul3A_126 = arith.constant 80 : i32
          %mul3A_127 = arith.muli %add3A_123, %mul3A_126 : i32
          %add3A_128 = arith.addi %mul3A_125, %mul3A_127 : i32
          %dma_start3A_129 = tpu.memref_slice %arg7[%add3A_128] : memref<320000xi32, #tpu.memory_space<hbm>> -> memref<80xi32, #tpu.memory_space<hbm>>
          %dma_start3A_130 = tpu.memref_slice %arg7[%add3A_128] : memref<320000xi32, #tpu.memory_space<hbm>> -> memref<80xi32, #tpu.memory_space<hbm>>
          tpu.enqueue_dma source(%dma_start3A_130 : memref<80xi32, #tpu.memory_space<hbm>>) target(%arg15 : memref<80xi32, #tpu.memory_space<vmem>>) target_semaphore(%arg22 : memref<!tpu.dma_semaphore, #tpu.memory_space<semaphore_mem>>)
          %add3A_131 = arith.constant 2 : i32
          %add3A_132 = arith.addi %mul3A_89, %add3A_131 : i32
          %mul3A_133 = arith.constant 80 : i32
          %mul3A_134 = arith.muli %add3A_132, %mul3A_133 : i32
          %dma_start3A_135 = tpu.memref_slice %arg14[%mul3A_134] : memref<20000xi32, #tpu.memory_space<vmem>> -> memref<80xi32, #tpu.memory_space<vmem>>
          %dma_start3A_136 = arith.constant 0 : i32
          %dma_start3A_137 = arith.constant 0 : i32
          %dma_start3A_138 = tpu.memref_slice %arg3[%dma_start3A_136, %dma_start3A_137] : memref<10000x128xf32, #tpu.memory_space<hbm>> -> memref<10000x128xf32, #tpu.memory_space<hbm>>
          tpu.enqueue_indirect_dma source(%dma_start3A_138 : memref<10000x128xf32, #tpu.memory_space<hbm>>) target(%arg17 : memref<80x128xf32, #tpu.memory_space<vmem>>) offsets(%dma_start3A_135 : memref<80xi32, #tpu.memory_space<vmem>>) semaphore(%arg20 : memref<!tpu.dma_semaphore, #tpu.memory_space<semaphore_mem>>)
        } else {
        }
        %dma_wait3A_105 = arith.constant 0 : i32
        %dma_wait3A_106 = arith.constant 0 : i32
        %dma_wait3A_107 = tpu.memref_slice %arg2[%dma_wait3A_105, %dma_wait3A_106] : memref<10000x128xf32, #tpu.memory_space<hbm>> -> memref<80x128xf32, #tpu.memory_space<hbm>>
        %dma_wait3A_108 = arith.constant 0 : i32
        %dma_wait3A_109 = arith.constant 0 : i32
        %dma_wait3A_110 = tpu.memref_slice %arg2[%dma_wait3A_108, %dma_wait3A_109] : memref<10000x128xf32, #tpu.memory_space<hbm>> -> memref<80x128xf32, #tpu.memory_space<hbm>>
        tpu.wait_dma2 semaphore(%arg21 : memref<!tpu.dma_semaphore, #tpu.memory_space<semaphore_mem>>) src(%dma_wait3A_110 : memref<80x128xf32, #tpu.memory_space<hbm>>) dst(%arg18 : memref<80x128xf32, #tpu.memory_space<vmem>>)
        %dma_wait3A_111 = arith.constant 0 : i32
        %dma_wait3A_112 = tpu.memref_slice %arg7[%dma_wait3A_111] : memref<320000xi32, #tpu.memory_space<hbm>> -> memref<80xi32, #tpu.memory_space<hbm>>
        %dma_wait3A_113 = arith.constant 0 : i32
        %dma_wait3A_114 = tpu.memref_slice %arg7[%dma_wait3A_113] : memref<320000xi32, #tpu.memory_space<hbm>> -> memref<80xi32, #tpu.memory_space<hbm>>
        tpu.wait_dma2 semaphore(%arg23 : memref<!tpu.dma_semaphore, #tpu.memory_space<semaphore_mem>>) src(%dma_wait3A_114 : memref<80xi32, #tpu.memory_space<hbm>>) dst(%arg16 : memref<80xi32, #tpu.memory_space<vmem>>)
        "tpu.region"() ({
          %run_scoped3A = tpu.sem_alloc : memref<!tpu.dma_semaphore, #tpu.memory_space<semaphore_mem>>
          %dma_start3A_122 = arith.constant 0 : i32
          %dma_start3A_123 = arith.constant 0 : i32
          %dma_start3A_124 = tpu.memref_slice %arg13[%dma_start3A_122, %dma_start3A_123] : memref<10000x128xf32, #tpu.memory_space<vmem_shared>> -> memref<10000x128xf32, #tpu.memory_space<vmem_shared>>
          tpu.enqueue_indirect_dma source(%arg18 : memref<80x128xf32, #tpu.memory_space<vmem>>) target(%dma_start3A_124 : memref<10000x128xf32, #tpu.memory_space<vmem_shared>>) offsets(%arg16 : memref<80xi32, #tpu.memory_space<vmem>>) semaphore(%run_scoped3A : memref<!tpu.dma_semaphore, #tpu.memory_space<semaphore_mem>>) {add = true}
          %dma_wait3A_125 = arith.constant 0 : i32
          %dma_wait3A_126 = arith.constant 0 : i32
          %dma_wait3A_127 = tpu.memref_slice %arg13[%dma_wait3A_125, %dma_wait3A_126] : memref<10000x128xf32, #tpu.memory_space<vmem_shared>> -> memref<10000x128xf32, #tpu.memory_space<vmem_shared>>
          tpu.wait_indirect_dma semaphore(%run_scoped3A : memref<!tpu.dma_semaphore, #tpu.memory_space<semaphore_mem>>) src(%arg18 : memref<80x128xf32, #tpu.memory_space<vmem>>) dst(%dma_wait3A_127 : memref<10000x128xf32, #tpu.memory_space<vmem_shared>>)
          tpu.yield
        }) : () -> ()
        %add3A_115 = arith.constant 3 : i32
        %add3A_116 = arith.addi %mul3A_89, %add3A_115 : i32
        %lt3A_117 = arith.constant 250 : i32
        %lt3A_118 = arith.cmpi slt, %add3A_116, %lt3A_117 : i32
        %convert_element_type3A_119 = arith.extui %lt3A_118 : i1 to i32
        %cond3A_120 = arith.constant 0 : i32
        %cond3A_121 = arith.cmpi ne, %convert_element_type3A_119, %cond3A_120 : i32
        scf.if %cond3A_121 {
          %add3A_122 = arith.constant 3 : i32
          %add3A_123 = arith.addi %mul3A_89, %add3A_122 : i32
          %mul3A_124 = arith.constant 20000 : i32
          %mul3A_125 = arith.muli %arg1, %mul3A_124 : i32
          %mul3A_126 = arith.constant 80 : i32
          %mul3A_127 = arith.muli %add3A_123, %mul3A_126 : i32
          %add3A_128 = arith.addi %mul3A_125, %mul3A_127 : i32
          %dma_start3A_129 = tpu.memref_slice %arg7[%add3A_128] : memref<320000xi32, #tpu.memory_space<hbm>> -> memref<80xi32, #tpu.memory_space<hbm>>
          %dma_start3A_130 = tpu.memref_slice %arg7[%add3A_128] : memref<320000xi32, #tpu.memory_space<hbm>> -> memref<80xi32, #tpu.memory_space<hbm>>
          tpu.enqueue_dma source(%dma_start3A_130 : memref<80xi32, #tpu.memory_space<hbm>>) target(%arg16 : memref<80xi32, #tpu.memory_space<vmem>>) target_semaphore(%arg23 : memref<!tpu.dma_semaphore, #tpu.memory_space<semaphore_mem>>)
          %add3A_131 = arith.constant 3 : i32
          %add3A_132 = arith.addi %mul3A_89, %add3A_131 : i32
          %mul3A_133 = arith.constant 80 : i32
          %mul3A_134 = arith.muli %add3A_132, %mul3A_133 : i32
          %dma_start3A_135 = tpu.memref_slice %arg14[%mul3A_134] : memref<20000xi32, #tpu.memory_space<vmem>> -> memref<80xi32, #tpu.memory_space<vmem>>
          %dma_start3A_136 = arith.constant 0 : i32
          %dma_start3A_137 = arith.constant 0 : i32
          %dma_start3A_138 = tpu.memref_slice %arg3[%dma_start3A_136, %dma_start3A_137] : memref<10000x128xf32, #tpu.memory_space<hbm>> -> memref<10000x128xf32, #tpu.memory_space<hbm>>
          tpu.enqueue_indirect_dma source(%dma_start3A_138 : memref<10000x128xf32, #tpu.memory_space<hbm>>) target(%arg18 : memref<80x128xf32, #tpu.memory_space<vmem>>) offsets(%dma_start3A_135 : memref<80xi32, #tpu.memory_space<vmem>>) semaphore(%arg21 : memref<!tpu.dma_semaphore, #tpu.memory_space<semaphore_mem>>)
        } else {
        }
      }
      %scan3A_86 = arith.constant 125 : i32
    } else {
    }
    %eq3A_49 = arith.constant 1 : i32
    %eq3A_50 = arith.cmpi eq, %arg0, %eq3A_49 : i32
    %convert_element_type3A_51 = arith.extui %eq3A_50 : i1 to i32
    %cond3A_52 = arith.constant 0 : i32
    %cond3A_53 = arith.cmpi ne, %convert_element_type3A_51, %cond3A_52 : i32
    scf.if %cond3A_53 {
      %mul3A_61 = arith.constant 20000 : i32
      %mul3A_62 = arith.muli %arg1, %mul3A_61 : i32
      %add3A = arith.constant 0 : i32
      %add3A_63 = arith.addi %mul3A_62, %add3A : i32
      %dma_start3A = tpu.memref_slice %arg7[%add3A_63] : memref<320000xi32, #tpu.memory_space<hbm>> -> memref<80xi32, #tpu.memory_space<hbm>>
      %dma_start3A_64 = tpu.memref_slice %arg7[%add3A_63] : memref<320000xi32, #tpu.memory_space<hbm>> -> memref<80xi32, #tpu.memory_space<hbm>>
      tpu.enqueue_dma source(%dma_start3A_64 : memref<80xi32, #tpu.memory_space<hbm>>) target(%arg15 : memref<80xi32, #tpu.memory_space<vmem>>) target_semaphore(%arg22 : memref<!tpu.dma_semaphore, #tpu.memory_space<semaphore_mem>>)
      %mul3A_65 = arith.constant 20000 : i32
      %mul3A_66 = arith.muli %arg1, %mul3A_65 : i32
      %add3A_67 = arith.constant 80 : i32
      %add3A_68 = arith.addi %mul3A_66, %add3A_67 : i32
      %dma_start3A_69 = tpu.memref_slice %arg7[%add3A_68] : memref<320000xi32, #tpu.memory_space<hbm>> -> memref<80xi32, #tpu.memory_space<hbm>>
      %dma_start3A_70 = tpu.memref_slice %arg7[%add3A_68] : memref<320000xi32, #tpu.memory_space<hbm>> -> memref<80xi32, #tpu.memory_space<hbm>>
      tpu.enqueue_dma source(%dma_start3A_70 : memref<80xi32, #tpu.memory_space<hbm>>) target(%arg16 : memref<80xi32, #tpu.memory_space<vmem>>) target_semaphore(%arg23 : memref<!tpu.dma_semaphore, #tpu.memory_space<semaphore_mem>>)
      %dma_start3A_71 = arith.constant 0 : i32
      %dma_start3A_72 = tpu.memref_slice %arg14[%dma_start3A_71] : memref<20000xi32, #tpu.memory_space<vmem>> -> memref<80xi32, #tpu.memory_space<vmem>>
      %dma_start3A_73 = arith.constant 0 : i32
      %dma_start3A_74 = arith.constant 0 : i32
      %dma_start3A_75 = tpu.memref_slice %arg5[%dma_start3A_73, %dma_start3A_74] : memref<10000x128xf32, #tpu.memory_space<hbm>> -> memref<10000x128xf32, #tpu.memory_space<hbm>>
      tpu.enqueue_indirect_dma source(%dma_start3A_75 : memref<10000x128xf32, #tpu.memory_space<hbm>>) target(%arg17 : memref<80x128xf32, #tpu.memory_space<vmem>>) offsets(%dma_start3A_72 : memref<80xi32, #tpu.memory_space<vmem>>) semaphore(%arg20 : memref<!tpu.dma_semaphore, #tpu.memory_space<semaphore_mem>>)
      %dma_start3A_76 = arith.constant 80 : i32
      %dma_start3A_77 = tpu.memref_slice %arg14[%dma_start3A_76] : memref<20000xi32, #tpu.memory_space<vmem>> -> memref<80xi32, #tpu.memory_space<vmem>>
      %dma_start3A_78 = arith.constant 0 : i32
      %dma_start3A_79 = arith.constant 0 : i32
      %dma_start3A_80 = tpu.memref_slice %arg5[%dma_start3A_78, %dma_start3A_79] : memref<10000x128xf32, #tpu.memory_space<hbm>> -> memref<10000x128xf32, #tpu.memory_space<hbm>>
      tpu.enqueue_indirect_dma source(%dma_start3A_80 : memref<10000x128xf32, #tpu.memory_space<hbm>>) target(%arg18 : memref<80x128xf32, #tpu.memory_space<vmem>>) offsets(%dma_start3A_77 : memref<80xi32, #tpu.memory_space<vmem>>) semaphore(%arg21 : memref<!tpu.dma_semaphore, #tpu.memory_space<semaphore_mem>>)
      %scan3A_81 = arith.constant 0 : i32
      %scan3A_82 = arith.constant 0 : i32
      %scan3A_83 = arith.constant 125 : i32
      %scan3A_84 = arith.addi %scan3A_82, %scan3A_83 : i32
      %scan3A_85 = arith.constant 1 : i32
      scf.for %scan3A_87 = %scan3A_82 to %scan3A_84 step %scan3A_85  : i32 {
        %mul3A_88 = arith.constant 2 : i32
        %mul3A_89 = arith.muli %mul3A_88, %scan3A_87 : i32
        %dma_wait3A = arith.constant 0 : i32
        %dma_wait3A_90 = arith.constant 0 : i32
        %dma_wait3A_91 = tpu.memref_slice %arg2[%dma_wait3A, %dma_wait3A_90] : memref<10000x128xf32, #tpu.memory_space<hbm>> -> memref<80x128xf32, #tpu.memory_space<hbm>>
        %dma_wait3A_92 = arith.constant 0 : i32
        %dma_wait3A_93 = arith.constant 0 : i32
        %dma_wait3A_94 = tpu.memref_slice %arg2[%dma_wait3A_92, %dma_wait3A_93] : memref<10000x128xf32, #tpu.memory_space<hbm>> -> memref<80x128xf32, #tpu.memory_space<hbm>>
        tpu.wait_dma2 semaphore(%arg20 : memref<!tpu.dma_semaphore, #tpu.memory_space<semaphore_mem>>) src(%dma_wait3A_94 : memref<80x128xf32, #tpu.memory_space<hbm>>) dst(%arg17 : memref<80x128xf32, #tpu.memory_space<vmem>>)
        %dma_wait3A_95 = arith.constant 0 : i32
        %dma_wait3A_96 = tpu.memref_slice %arg7[%dma_wait3A_95] : memref<320000xi32, #tpu.memory_space<hbm>> -> memref<80xi32, #tpu.memory_space<hbm>>
        %dma_wait3A_97 = arith.constant 0 : i32
        %dma_wait3A_98 = tpu.memref_slice %arg7[%dma_wait3A_97] : memref<320000xi32, #tpu.memory_space<hbm>> -> memref<80xi32, #tpu.memory_space<hbm>>
        tpu.wait_dma2 semaphore(%arg22 : memref<!tpu.dma_semaphore, #tpu.memory_space<semaphore_mem>>) src(%dma_wait3A_98 : memref<80xi32, #tpu.memory_space<hbm>>) dst(%arg15 : memref<80xi32, #tpu.memory_space<vmem>>)
        "tpu.region"() ({
          %run_scoped3A = tpu.sem_alloc : memref<!tpu.dma_semaphore, #tpu.memory_space<semaphore_mem>>
          %dma_start3A_122 = arith.constant 0 : i32
          %dma_start3A_123 = arith.constant 0 : i32
          %dma_start3A_124 = tpu.memref_slice %arg13[%dma_start3A_122, %dma_start3A_123] : memref<10000x128xf32, #tpu.memory_space<vmem_shared>> -> memref<10000x128xf32, #tpu.memory_space<vmem_shared>>
          tpu.enqueue_indirect_dma source(%arg17 : memref<80x128xf32, #tpu.memory_space<vmem>>) target(%dma_start3A_124 : memref<10000x128xf32, #tpu.memory_space<vmem_shared>>) offsets(%arg15 : memref<80xi32, #tpu.memory_space<vmem>>) semaphore(%run_scoped3A : memref<!tpu.dma_semaphore, #tpu.memory_space<semaphore_mem>>) {add = true}
          %dma_wait3A_125 = arith.constant 0 : i32
          %dma_wait3A_126 = arith.constant 0 : i32
          %dma_wait3A_127 = tpu.memref_slice %arg13[%dma_wait3A_125, %dma_wait3A_126] : memref<10000x128xf32, #tpu.memory_space<vmem_shared>> -> memref<10000x128xf32, #tpu.memory_space<vmem_shared>>
          tpu.wait_indirect_dma semaphore(%run_scoped3A : memref<!tpu.dma_semaphore, #tpu.memory_space<semaphore_mem>>) src(%arg17 : memref<80x128xf32, #tpu.memory_space<vmem>>) dst(%dma_wait3A_127 : memref<10000x128xf32, #tpu.memory_space<vmem_shared>>)
          tpu.yield
        }) : () -> ()
        %add3A_99 = arith.constant 2 : i32
        %add3A_100 = arith.addi %mul3A_89, %add3A_99 : i32
        %lt3A = arith.constant 250 : i32
        %lt3A_101 = arith.cmpi slt, %add3A_100, %lt3A : i32
        %convert_element_type3A_102 = arith.extui %lt3A_101 : i1 to i32
        %cond3A_103 = arith.constant 0 : i32
        %cond3A_104 = arith.cmpi ne, %convert_element_type3A_102, %cond3A_103 : i32
        scf.if %cond3A_104 {
          %add3A_122 = arith.constant 2 : i32
          %add3A_123 = arith.addi %mul3A_89, %add3A_122 : i32
          %mul3A_124 = arith.constant 20000 : i32
          %mul3A_125 = arith.muli %arg1, %mul3A_124 : i32
          %mul3A_126 = arith.constant 80 : i32
          %mul3A_127 = arith.muli %add3A_123, %mul3A_126 : i32
          %add3A_128 = arith.addi %mul3A_125, %mul3A_127 : i32
          %dma_start3A_129 = tpu.memref_slice %arg7[%add3A_128] : memref<320000xi32, #tpu.memory_space<hbm>> -> memref<80xi32, #tpu.memory_space<hbm>>
          %dma_start3A_130 = tpu.memref_slice %arg7[%add3A_128] : memref<320000xi32, #tpu.memory_space<hbm>> -> memref<80xi32, #tpu.memory_space<hbm>>
          tpu.enqueue_dma source(%dma_start3A_130 : memref<80xi32, #tpu.memory_space<hbm>>) target(%arg15 : memref<80xi32, #tpu.memory_space<vmem>>) target_semaphore(%arg22 : memref<!tpu.dma_semaphore, #tpu.memory_space<semaphore_mem>>)
          %add3A_131 = arith.constant 2 : i32
          %add3A_132 = arith.addi %mul3A_89, %add3A_131 : i32
          %mul3A_133 = arith.constant 80 : i32
          %mul3A_134 = arith.muli %add3A_132, %mul3A_133 : i32
          %dma_start3A_135 = tpu.memref_slice %arg14[%mul3A_134] : memref<20000xi32, #tpu.memory_space<vmem>> -> memref<80xi32, #tpu.memory_space<vmem>>
          %dma_start3A_136 = arith.constant 0 : i32
          %dma_start3A_137 = arith.constant 0 : i32
          %dma_start3A_138 = tpu.memref_slice %arg5[%dma_start3A_136, %dma_start3A_137] : memref<10000x128xf32, #tpu.memory_space<hbm>> -> memref<10000x128xf32, #tpu.memory_space<hbm>>
          tpu.enqueue_indirect_dma source(%dma_start3A_138 : memref<10000x128xf32, #tpu.memory_space<hbm>>) target(%arg17 : memref<80x128xf32, #tpu.memory_space<vmem>>) offsets(%dma_start3A_135 : memref<80xi32, #tpu.memory_space<vmem>>) semaphore(%arg20 : memref<!tpu.dma_semaphore, #tpu.memory_space<semaphore_mem>>)
        } else {
        }
        %dma_wait3A_105 = arith.constant 0 : i32
        %dma_wait3A_106 = arith.constant 0 : i32
        %dma_wait3A_107 = tpu.memref_slice %arg2[%dma_wait3A_105, %dma_wait3A_106] : memref<10000x128xf32, #tpu.memory_space<hbm>> -> memref<80x128xf32, #tpu.memory_space<hbm>>
        %dma_wait3A_108 = arith.constant 0 : i32
        %dma_wait3A_109 = arith.constant 0 : i32
        %dma_wait3A_110 = tpu.memref_slice %arg2[%dma_wait3A_108, %dma_wait3A_109] : memref<10000x128xf32, #tpu.memory_space<hbm>> -> memref<80x128xf32, #tpu.memory_space<hbm>>
        tpu.wait_dma2 semaphore(%arg21 : memref<!tpu.dma_semaphore, #tpu.memory_space<semaphore_mem>>) src(%dma_wait3A_110 : memref<80x128xf32, #tpu.memory_space<hbm>>) dst(%arg18 : memref<80x128xf32, #tpu.memory_space<vmem>>)
        %dma_wait3A_111 = arith.constant 0 : i32
        %dma_wait3A_112 = tpu.memref_slice %arg7[%dma_wait3A_111] : memref<320000xi32, #tpu.memory_space<hbm>> -> memref<80xi32, #tpu.memory_space<hbm>>
        %dma_wait3A_113 = arith.constant 0 : i32
        %dma_wait3A_114 = tpu.memref_slice %arg7[%dma_wait3A_113] : memref<320000xi32, #tpu.memory_space<hbm>> -> memref<80xi32, #tpu.memory_space<hbm>>
        tpu.wait_dma2 semaphore(%arg23 : memref<!tpu.dma_semaphore, #tpu.memory_space<semaphore_mem>>) src(%dma_wait3A_114 : memref<80xi32, #tpu.memory_space<hbm>>) dst(%arg16 : memref<80xi32, #tpu.memory_space<vmem>>)
        "tpu.region"() ({
          %run_scoped3A = tpu.sem_alloc : memref<!tpu.dma_semaphore, #tpu.memory_space<semaphore_mem>>
          %dma_start3A_122 = arith.constant 0 : i32
          %dma_start3A_123 = arith.constant 0 : i32
          %dma_start3A_124 = tpu.memref_slice %arg13[%dma_start3A_122, %dma_start3A_123] : memref<10000x128xf32, #tpu.memory_space<vmem_shared>> -> memref<10000x128xf32, #tpu.memory_space<vmem_shared>>
          tpu.enqueue_indirect_dma source(%arg18 : memref<80x128xf32, #tpu.memory_space<vmem>>) target(%dma_start3A_124 : memref<10000x128xf32, #tpu.memory_space<vmem_shared>>) offsets(%arg16 : memref<80xi32, #tpu.memory_space<vmem>>) semaphore(%run_scoped3A : memref<!tpu.dma_semaphore, #tpu.memory_space<semaphore_mem>>) {add = true}
          %dma_wait3A_125 = arith.constant 0 : i32
          %dma_wait3A_126 = arith.constant 0 : i32
          %dma_wait3A_127 = tpu.memref_slice %arg13[%dma_wait3A_125, %dma_wait3A_126] : memref<10000x128xf32, #tpu.memory_space<vmem_shared>> -> memref<10000x128xf32, #tpu.memory_space<vmem_shared>>
          tpu.wait_indirect_dma semaphore(%run_scoped3A : memref<!tpu.dma_semaphore, #tpu.memory_space<semaphore_mem>>) src(%arg18 : memref<80x128xf32, #tpu.memory_space<vmem>>) dst(%dma_wait3A_127 : memref<10000x128xf32, #tpu.memory_space<vmem_shared>>)
          tpu.yield
        }) : () -> ()
        %add3A_115 = arith.constant 3 : i32
        %add3A_116 = arith.addi %mul3A_89, %add3A_115 : i32
        %lt3A_117 = arith.constant 250 : i32
        %lt3A_118 = arith.cmpi slt, %add3A_116, %lt3A_117 : i32
        %convert_element_type3A_119 = arith.extui %lt3A_118 : i1 to i32
        %cond3A_120 = arith.constant 0 : i32
        %cond3A_121 = arith.cmpi ne, %convert_element_type3A_119, %cond3A_120 : i32
        scf.if %cond3A_121 {
          %add3A_122 = arith.constant 3 : i32
          %add3A_123 = arith.addi %mul3A_89, %add3A_122 : i32
          %mul3A_124 = arith.constant 20000 : i32
          %mul3A_125 = arith.muli %arg1, %mul3A_124 : i32
          %mul3A_126 = arith.constant 80 : i32
          %mul3A_127 = arith.muli %add3A_123, %mul3A_126 : i32
          %add3A_128 = arith.addi %mul3A_125, %mul3A_127 : i32
          %dma_start3A_129 = tpu.memref_slice %arg7[%add3A_128] : memref<320000xi32, #tpu.memory_space<hbm>> -> memref<80xi32, #tpu.memory_space<hbm>>
          %dma_start3A_130 = tpu.memref_slice %arg7[%add3A_128] : memref<320000xi32, #tpu.memory_space<hbm>> -> memref<80xi32, #tpu.memory_space<hbm>>
          tpu.enqueue_dma source(%dma_start3A_130 : memref<80xi32, #tpu.memory_space<hbm>>) target(%arg16 : memref<80xi32, #tpu.memory_space<vmem>>) target_semaphore(%arg23 : memref<!tpu.dma_semaphore, #tpu.memory_space<semaphore_mem>>)
          %add3A_131 = arith.constant 3 : i32
          %add3A_132 = arith.addi %mul3A_89, %add3A_131 : i32
          %mul3A_133 = arith.constant 80 : i32
          %mul3A_134 = arith.muli %add3A_132, %mul3A_133 : i32
          %dma_start3A_135 = tpu.memref_slice %arg14[%mul3A_134] : memref<20000xi32, #tpu.memory_space<vmem>> -> memref<80xi32, #tpu.memory_space<vmem>>
          %dma_start3A_136 = arith.constant 0 : i32
          %dma_start3A_137 = arith.constant 0 : i32
          %dma_start3A_138 = tpu.memref_slice %arg5[%dma_start3A_136, %dma_start3A_137] : memref<10000x128xf32, #tpu.memory_space<hbm>> -> memref<10000x128xf32, #tpu.memory_space<hbm>>
          tpu.enqueue_indirect_dma source(%dma_start3A_138 : memref<10000x128xf32, #tpu.memory_space<hbm>>) target(%arg18 : memref<80x128xf32, #tpu.memory_space<vmem>>) offsets(%dma_start3A_135 : memref<80xi32, #tpu.memory_space<vmem>>) semaphore(%arg21 : memref<!tpu.dma_semaphore, #tpu.memory_space<semaphore_mem>>)
        } else {
        }
      }
      %scan3A_86 = arith.constant 125 : i32
    } else {
    }
    %barrier3A_54 = arith.constant 0 : index
    tpu.barrier barrier_id(%barrier3A_54)
    %scan3A_55 = arith.constant 0 : i32
    %scan3A_56 = arith.constant 0 : i32
    %scan3A_57 = arith.constant 8 : i32
    %scan3A_58 = arith.addi %scan3A_56, %scan3A_57 : i32
    %scan3A_59 = arith.constant 1 : i32
    scf.for %scan3A_61 = %scan3A_56 to %scan3A_58 step %scan3A_59  : i32 {
      %mul3A_62 = arith.constant 16 : i32
      %mul3A_63 = arith.muli %mul3A_62, %scan3A_61 : i32
      %add3A = arith.addi %arg1, %mul3A_63 : i32
      %lt3A = arith.constant 125 : i32
      %lt3A_64 = arith.cmpi slt, %add3A, %lt3A : i32
      %convert_element_type3A_65 = arith.extui %lt3A_64 : i1 to i32
      %cond3A_66 = arith.constant 0 : i32
      %cond3A_67 = arith.cmpi ne, %convert_element_type3A_65, %cond3A_66 : i32
      scf.if %cond3A_67 {
        %mul3A_68 = arith.constant 80 : i32
        %mul3A_69 = arith.muli %add3A, %mul3A_68 : i32
        %eq3A_70 = arith.constant 0 : i32
        %eq3A_71 = arith.cmpi eq, %arg0, %eq3A_70 : i32
        %convert_element_type3A_72 = arith.extui %eq3A_71 : i1 to i32
        %cond3A_73 = arith.constant 0 : i32
        %cond3A_74 = arith.cmpi ne, %convert_element_type3A_72, %cond3A_73 : i32
        scf.if %cond3A_74 {
          "tpu.region"() ({
            %run_scoped3A = tpu.sem_alloc : memref<!tpu.dma_semaphore, #tpu.memory_space<semaphore_mem>>
            %dma_start3A = arith.constant 0 : i32
            %dma_start3A_80 = tpu.memref_slice %arg9[%mul3A_69, %dma_start3A] : memref<10000x128xf32, #tpu.memory_space<hbm>> -> memref<80x128xf32, #tpu.memory_space<hbm>>
            %dma_start3A_81 = arith.constant 0 : i32
            %dma_start3A_82 = tpu.memref_slice %arg13[%mul3A_69, %dma_start3A_81] : memref<10000x128xf32, #tpu.memory_space<vmem_shared>> -> memref<80x128xf32, #tpu.memory_space<vmem_shared>>
            tpu.enqueue_dma source(%dma_start3A_82 : memref<80x128xf32, #tpu.memory_space<vmem_shared>>) target(%dma_start3A_80 : memref<80x128xf32, #tpu.memory_space<hbm>>) target_semaphore(%run_scoped3A : memref<!tpu.dma_semaphore, #tpu.memory_space<semaphore_mem>>)
            %dma_wait3A = arith.constant 0 : i32
            %dma_wait3A_83 = tpu.memref_slice %arg9[%mul3A_69, %dma_wait3A] : memref<10000x128xf32, #tpu.memory_space<hbm>> -> memref<80x128xf32, #tpu.memory_space<hbm>>
            %dma_wait3A_84 = arith.constant 0 : i32
            %dma_wait3A_85 = tpu.memref_slice %arg13[%mul3A_69, %dma_wait3A_84] : memref<10000x128xf32, #tpu.memory_space<vmem_shared>> -> memref<80x128xf32, #tpu.memory_space<vmem_shared>>
            tpu.wait_dma2 semaphore(%run_scoped3A : memref<!tpu.dma_semaphore, #tpu.memory_space<semaphore_mem>>) src(%dma_wait3A_85 : memref<80x128xf32, #tpu.memory_space<vmem_shared>>) dst(%dma_wait3A_83 : memref<80x128xf32, #tpu.memory_space<hbm>>)
            tpu.yield
          }) : () -> ()
        } else {
        }
        %eq3A_75 = arith.constant 1 : i32
        %eq3A_76 = arith.cmpi eq, %arg0, %eq3A_75 : i32
        %convert_element_type3A_77 = arith.extui %eq3A_76 : i1 to i32
        %cond3A_78 = arith.constant 0 : i32
        %cond3A_79 = arith.cmpi ne, %convert_element_type3A_77, %cond3A_78 : i32
        scf.if %cond3A_79 {
          "tpu.region"() ({
            %run_scoped3A = tpu.sem_alloc : memref<!tpu.dma_semaphore, #tpu.memory_space<semaphore_mem>>
            %dma_start3A = arith.constant 0 : i32
            %dma_start3A_80 = tpu.memref_slice %arg11[%mul3A_69, %dma_start3A] : memref<10000x128xf32, #tpu.memory_space<hbm>> -> memref<80x128xf32, #tpu.memory_space<hbm>>
            %dma_start3A_81 = arith.constant 0 : i32
            %dma_start3A_82 = tpu.memref_slice %arg13[%mul3A_69, %dma_start3A_81] : memref<10000x128xf32, #tpu.memory_space<vmem_shared>> -> memref<80x128xf32, #tpu.memory_space<vmem_shared>>
            tpu.enqueue_dma source(%dma_start3A_82 : memref<80x128xf32, #tpu.memory_space<vmem_shared>>) target(%dma_start3A_80 : memref<80x128xf32, #tpu.memory_space<hbm>>) target_semaphore(%run_scoped3A : memref<!tpu.dma_semaphore, #tpu.memory_space<semaphore_mem>>)
            %dma_wait3A = arith.constant 0 : i32
            %dma_wait3A_83 = tpu.memref_slice %arg11[%mul3A_69, %dma_wait3A] : memref<10000x128xf32, #tpu.memory_space<hbm>> -> memref<80x128xf32, #tpu.memory_space<hbm>>
            %dma_wait3A_84 = arith.constant 0 : i32
            %dma_wait3A_85 = tpu.memref_slice %arg13[%mul3A_69, %dma_wait3A_84] : memref<10000x128xf32, #tpu.memory_space<vmem_shared>> -> memref<80x128xf32, #tpu.memory_space<vmem_shared>>
            tpu.wait_dma2 semaphore(%run_scoped3A : memref<!tpu.dma_semaphore, #tpu.memory_space<semaphore_mem>>) src(%dma_wait3A_85 : memref<80x128xf32, #tpu.memory_space<vmem_shared>>) dst(%dma_wait3A_83 : memref<80x128xf32, #tpu.memory_space<hbm>>)
            tpu.yield
          }) : () -> ()
        } else {
        }
      } else {
      }
    }
    %scan3A_60 = arith.constant 8 : i32
    return
  }
}

module attributes {stable_mosaic.version = 14 : i64} {
  func.func @_deg_reduce_body(%arg0: memref<16x10240xf32, #tpu.memory_space<vmem>>, %arg1: memref<10240x1xf32, #tpu.memory_space<vmem>>) attributes {dimension_semantics = [], scalar_prefetch = 0 : i64, scratch_operands = 0 : i64, tpu.core_type = #tpu.core_type<tc>} {
    %broadcast_in_dim3A = arith.constant 1.000000e+00 : f32
    %broadcast_in_dim3A_0 = vector.broadcast %broadcast_in_dim3A : f32 to vector<16x1xf32>
    %get3A = arith.constant 0 : index
    %get3A_1 = arith.constant 0 : index
    %get3A_2 = vector.load %arg0[%get3A, %get3A_1] : memref<16x10240xf32, #tpu.memory_space<vmem>>, vector<16x10240xf32>
    %dot_general3A = arith.constant dense<0.000000e+00> : vector<10240x1xf32>
    %dot_general3A_3 = tpu.matmul %get3A_2, %broadcast_in_dim3A_0, %dot_general3A {dimension_numbers = #tpu.dot_dimension_numbers<[0], [0], [1], [1], [0, 1, 1, 1], [], []>, transpose_lhs_hint = false} : vector<16x10240xf32>, vector<16x1xf32>, vector<10240x1xf32> -> vector<10240x1xf32>
    %swap3A = arith.constant 0 : index
    %swap3A_4 = arith.constant 0 : index
    %swap3A_5 = vector.load %arg1[%swap3A, %swap3A_4] : memref<10240x1xf32, #tpu.memory_space<vmem>>, vector<10240x1xf32>
    tpu.vector_store %arg1[%swap3A, %swap3A_4], %dot_general3A_3 {strides = array<i32>} : memref<10240x1xf32, #tpu.memory_space<vmem>>, vector<10240x1xf32>,
    return
  }
}

module attributes {stable_mosaic.version = 14 : i64} {
  func.func @_tc_body(%arg0: i32, %arg1: memref<1000x128xf32, #tpu.memory_space<vmem>>, %arg2: memref<1000x128xf32, #tpu.memory_space<vmem>>, %arg3: memref<1000x128xf32, #tpu.memory_space<vmem>>, %arg4: memref<1000x128xf32, #tpu.memory_space<vmem>>, %arg5: memref<1000x1xf32, #tpu.memory_space<vmem>>, %arg6: memref<1000x1xf32, #tpu.memory_space<vmem>>, %arg7: memref<128x128xf32, #tpu.memory_space<vmem>>, %arg8: memref<1x128xf32, #tpu.memory_space<vmem>>, %arg9: memref<128x128xf32, #tpu.memory_space<vmem>>, %arg10: memref<1xf32, #tpu.memory_space<smem>>, %arg11: memref<1000x3xf32, #tpu.memory_space<vmem>>) attributes {dimension_semantics = [#tpu.dimension_semantics<arbitrary>], iteration_bounds = array<i64: 10>, scalar_prefetch = 0 : i64, scratch_operands = 0 : i64, tpu.core_type = #tpu.core_type<tc>, window_params = [{transform_indices = @transform_0, window_bounds = array<i64: 1000, 128>}, {transform_indices = @transform_1, window_bounds = array<i64: 1000, 128>}, {transform_indices = @transform_2, window_bounds = array<i64: 1000, 128>}, {transform_indices = @transform_3, window_bounds = array<i64: 1000, 128>}, {transform_indices = @transform_4, window_bounds = array<i64: 1000, 1>}, {transform_indices = @transform_5, window_bounds = array<i64: 1000, 1>}, {pipeline_mode = #tpu.pipeline_mode<synchronous>, transform_indices = @transform_6, window_bounds = array<i64: 128, 128>}, {pipeline_mode = #tpu.pipeline_mode<synchronous>, transform_indices = @transform_7, window_bounds = array<i64: 1, 128>}, {pipeline_mode = #tpu.pipeline_mode<synchronous>, transform_indices = @transform_8, window_bounds = array<i64: 128, 128>}, {transform_indices = @transform_9, window_bounds = array<i64: 1>}, {transform_indices = @transform_10, window_bounds = array<i64: 1000, 3>}]} {
    %get3A = arith.constant 0 : index
    %get3A_0 = arith.constant 0 : index
    %get3A_1 = vector.load %arg5[%get3A, %get3A_0] : memref<1000x1xf32, #tpu.memory_space<vmem>>, vector<1000x1xf32>
    %max3A = arith.constant 1.000000e+00 : f32
    %max3A_2 = vector.broadcast %max3A : f32 to vector<1000x1xf32>
    %max3A_3 = arith.maximumf %get3A_1, %max3A_2 : vector<1000x1xf32>
    %div3A = arith.constant 1.000000e+00 : f32
    %div3A_4 = vector.broadcast %div3A : f32 to vector<1000x1xf32>
    %div3A_5 = arith.divf %div3A_4, %max3A_3 : vector<1000x1xf32>
    %gt3A = arith.constant 0.000000e+00 : f32
    %gt3A_6 = vector.broadcast %gt3A : f32 to vector<1000x1xf32>
    %gt3A_7 = arith.cmpf ogt, %get3A_1, %gt3A_6 : vector<1000x1xf32>
    %jit3A = arith.constant 1.000000e+00 : f32
    %jit3A_8 = arith.constant 0.000000e+00 : f32
    %broadcast_in_dim3A = vector.broadcast %jit3A : f32 to vector<1000x1xf32>
    %broadcast_in_dim3A_9 = vector.broadcast %jit3A_8 : f32 to vector<1000x1xf32>
    %select_n3A = arith.select %gt3A_7, %broadcast_in_dim3A, %broadcast_in_dim3A_9 : vector<1000x1xi1>, vector<1000x1xf32>
    %get3A_10 = arith.constant 0 : index
    %get3A_11 = arith.constant 0 : index
    %get3A_12 = vector.load %arg7[%get3A_10, %get3A_11] : memref<128x128xf32, #tpu.memory_space<vmem>>, vector<128x128xf32>
    %get3A_13 = arith.constant 0 : index
    %get3A_14 = arith.constant 0 : index
    %get3A_15 = vector.load %arg8[%get3A_13, %get3A_14] : memref<1x128xf32, #tpu.memory_space<vmem>>, vector<1x128xf32>
    %get3A_16 = arith.constant 0 : index
    %get3A_17 = arith.constant 0 : index
    %get3A_18 = vector.load %arg1[%get3A_16, %get3A_17] : memref<1000x128xf32, #tpu.memory_space<vmem>>, vector<1000x128xf32>
    %mul3A = vector.broadcast %div3A_5 : vector<1000x1xf32> to vector<1000x128xf32>
    %mul3A_19 = arith.mulf %get3A_18, %mul3A : vector<1000x128xf32>
    %dot_general3A = arith.constant dense<0.000000e+00> : vector<1000x128xf32>
    %dot_general3A_20 = tpu.matmul %mul3A_19, %get3A_12, %dot_general3A {dimension_numbers = #tpu.dot_dimension_numbers<[1], [0], [0], [1], [0, 0, 1, 1], [], []>, transpose_lhs_hint = false} : vector<1000x128xf32>, vector<128x128xf32>, vector<1000x128xf32> -> vector<1000x128xf32>
    %add3A = vector.broadcast %get3A_15 : vector<1x128xf32> to vector<1000x128xf32>
    %add3A_21 = arith.addf %dot_general3A_20, %add3A : vector<1000x128xf32>
    %max3A_22 = arith.constant 0.000000e+00 : f32
    %max3A_23 = vector.broadcast %max3A_22 : f32 to vector<1000x128xf32>
    %max3A_24 = arith.maximumf %add3A_21, %max3A_23 : vector<1000x128xf32>
    %mul3A_25 = vector.broadcast %select_n3A : vector<1000x1xf32> to vector<1000x128xf32>
    %mul3A_26 = arith.mulf %max3A_24, %mul3A_25 : vector<1000x128xf32>
    %get3A_27 = arith.constant 0 : index
    %get3A_28 = arith.constant 0 : index
    %get3A_29 = vector.load %arg2[%get3A_27, %get3A_28] : memref<1000x128xf32, #tpu.memory_space<vmem>>, vector<1000x128xf32>
    %mul3A_30 = vector.broadcast %div3A_5 : vector<1000x1xf32> to vector<1000x128xf32>
    %mul3A_31 = arith.mulf %get3A_29, %mul3A_30 : vector<1000x128xf32>
    %dot_general3A_32 = arith.constant dense<0.000000e+00> : vector<1000x128xf32>
    %dot_general3A_33 = tpu.matmul %mul3A_31, %get3A_12, %dot_general3A_32 {dimension_numbers = #tpu.dot_dimension_numbers<[1], [0], [0], [1], [0, 0, 1, 1], [], []>, transpose_lhs_hint = false} : vector<1000x128xf32>, vector<128x128xf32>, vector<1000x128xf32> -> vector<1000x128xf32>
    %add3A_34 = vector.broadcast %get3A_15 : vector<1x128xf32> to vector<1000x128xf32>
    %add3A_35 = arith.addf %dot_general3A_33, %add3A_34 : vector<1000x128xf32>
    %max3A_36 = arith.constant 0.000000e+00 : f32
    %max3A_37 = vector.broadcast %max3A_36 : f32 to vector<1000x128xf32>
    %max3A_38 = arith.maximumf %add3A_35, %max3A_37 : vector<1000x128xf32>
    %mul3A_39 = vector.broadcast %select_n3A : vector<1000x1xf32> to vector<1000x128xf32>
    %mul3A_40 = arith.mulf %max3A_38, %mul3A_39 : vector<1000x128xf32>
    %get3A_41 = arith.constant 0 : index
    %get3A_42 = arith.constant 0 : index
    %get3A_43 = vector.load %arg3[%get3A_41, %get3A_42] : memref<1000x128xf32, #tpu.memory_space<vmem>>, vector<1000x128xf32>
    %mul3A_44 = vector.broadcast %div3A_5 : vector<1000x1xf32> to vector<1000x128xf32>
    %mul3A_45 = arith.mulf %get3A_43, %mul3A_44 : vector<1000x128xf32>
    %dot_general3A_46 = arith.constant dense<0.000000e+00> : vector<1000x128xf32>
    %dot_general3A_47 = tpu.matmul %mul3A_45, %get3A_12, %dot_general3A_46 {dimension_numbers = #tpu.dot_dimension_numbers<[1], [0], [0], [1], [0, 0, 1, 1], [], []>, transpose_lhs_hint = false} : vector<1000x128xf32>, vector<128x128xf32>, vector<1000x128xf32> -> vector<1000x128xf32>
    %add3A_48 = vector.broadcast %get3A_15 : vector<1x128xf32> to vector<1000x128xf32>
    %add3A_49 = arith.addf %dot_general3A_47, %add3A_48 : vector<1000x128xf32>
    %max3A_50 = arith.constant 0.000000e+00 : f32
    %max3A_51 = vector.broadcast %max3A_50 : f32 to vector<1000x128xf32>
    %max3A_52 = arith.maximumf %add3A_49, %max3A_51 : vector<1000x128xf32>
    %mul3A_53 = vector.broadcast %select_n3A : vector<1000x1xf32> to vector<1000x128xf32>
    %mul3A_54 = arith.mulf %max3A_52, %mul3A_53 : vector<1000x128xf32>
    %get3A_55 = arith.constant 0 : index
    %get3A_56 = arith.constant 0 : index
    %get3A_57 = vector.load %arg4[%get3A_55, %get3A_56] : memref<1000x128xf32, #tpu.memory_space<vmem>>, vector<1000x128xf32>
    %mul3A_58 = vector.broadcast %div3A_5 : vector<1000x1xf32> to vector<1000x128xf32>
    %mul3A_59 = arith.mulf %get3A_57, %mul3A_58 : vector<1000x128xf32>
    %dot_general3A_60 = arith.constant dense<0.000000e+00> : vector<1000x128xf32>
    %dot_general3A_61 = tpu.matmul %mul3A_59, %get3A_12, %dot_general3A_60 {dimension_numbers = #tpu.dot_dimension_numbers<[1], [0], [0], [1], [0, 0, 1, 1], [], []>, transpose_lhs_hint = false} : vector<1000x128xf32>, vector<128x128xf32>, vector<1000x128xf32> -> vector<1000x128xf32>
    %add3A_62 = vector.broadcast %get3A_15 : vector<1x128xf32> to vector<1000x128xf32>
    %add3A_63 = arith.addf %dot_general3A_61, %add3A_62 : vector<1000x128xf32>
    %max3A_64 = arith.constant 0.000000e+00 : f32
    %max3A_65 = vector.broadcast %max3A_64 : f32 to vector<1000x128xf32>
    %max3A_66 = arith.maximumf %add3A_63, %max3A_65 : vector<1000x128xf32>
    %mul3A_67 = vector.broadcast %select_n3A : vector<1000x1xf32> to vector<1000x128xf32>
    %mul3A_68 = arith.mulf %max3A_66, %mul3A_67 : vector<1000x128xf32>
    %get3A_69 = arith.constant 0 : index
    %get3A_70 = arith.constant 0 : index
    %get3A_71 = vector.load %arg9[%get3A_69, %get3A_70] : memref<128x128xf32, #tpu.memory_space<vmem>>, vector<128x128xf32>
    %get3A_72 = arith.constant 0 : index
    %get3A_73 = arith.constant 0 : index
    %get3A_74 = vector.load %arg6[%get3A_72, %get3A_73] : memref<1000x1xf32, #tpu.memory_space<vmem>>, vector<1000x1xf32>
    %get3A_75 = arith.constant 0 : index
    %get3A_76 = memref.load %arg10[%get3A_75] : memref<1xf32, #tpu.memory_space<smem>>
    %dot_general3A_77 = arith.constant dense<0.000000e+00> : vector<1000x128xf32>
    %dot_general3A_78 = tpu.matmul %mul3A_40, %get3A_71, %dot_general3A_77 {dimension_numbers = #tpu.dot_dimension_numbers<[1], [0], [0], [1], [0, 0, 1, 1], [], []>, transpose_lhs_hint = false} : vector<1000x128xf32>, vector<128x128xf32>, vector<1000x128xf32> -> vector<1000x128xf32>
    %mul3A_79 = arith.mulf %mul3A_26, %dot_general3A_78 : vector<1000x128xf32>
    %reduce_sum3A = arith.constant dense<0.000000e+00> : vector<1000xf32>
    %reduce_sum3A_80 = vector.multi_reduction <add>, %mul3A_79, %reduce_sum3A [1] : vector<1000x128xf32> to vector<1000xf32>
    %dot_general3A_81 = arith.constant dense<0.000000e+00> : vector<1000x128xf32>
    %dot_general3A_82 = tpu.matmul %mul3A_54, %get3A_71, %dot_general3A_81 {dimension_numbers = #tpu.dot_dimension_numbers<[1], [0], [0], [1], [0, 0, 1, 1], [], []>, transpose_lhs_hint = false} : vector<1000x128xf32>, vector<128x128xf32>, vector<1000x128xf32> -> vector<1000x128xf32>
    %mul3A_83 = arith.mulf %mul3A_26, %dot_general3A_82 : vector<1000x128xf32>
    %reduce_sum3A_84 = arith.constant dense<0.000000e+00> : vector<1000xf32>
    %reduce_sum3A_85 = vector.multi_reduction <add>, %mul3A_83, %reduce_sum3A_84 [1] : vector<1000x128xf32> to vector<1000xf32>
    %dot_general3A_86 = arith.constant dense<0.000000e+00> : vector<1000x128xf32>
    %dot_general3A_87 = tpu.matmul %mul3A_68, %get3A_71, %dot_general3A_86 {dimension_numbers = #tpu.dot_dimension_numbers<[1], [0], [0], [1], [0, 0, 1, 1], [], []>, transpose_lhs_hint = false} : vector<1000x128xf32>, vector<128x128xf32>, vector<1000x128xf32> -> vector<1000x128xf32>
    %mul3A_88 = arith.mulf %mul3A_26, %dot_general3A_87 : vector<1000x128xf32>
    %reduce_sum3A_89 = arith.constant dense<0.000000e+00> : vector<1000xf32>
    %reduce_sum3A_90 = vector.multi_reduction <add>, %mul3A_88, %reduce_sum3A_89 [1] : vector<1000x128xf32> to vector<1000xf32>
    %stack3A = vector.shape_cast %reduce_sum3A_80 : vector<1000xf32> to vector<1000x1xf32>
    %stack3A_91 = vector.shape_cast %reduce_sum3A_85 : vector<1000xf32> to vector<1000x1xf32>
    %stack3A_92 = vector.shape_cast %reduce_sum3A_90 : vector<1000xf32> to vector<1000x1xf32>
    %stack3A_93 = tpu.concatenate %stack3A, %stack3A_91, %stack3A_92 in 1 : vector<1000x1xf32>, vector<1000x1xf32>, vector<1000x1xf32> -> vector<1000x3xf32>
    %add3A_94 = vector.broadcast %get3A_76 : f32 to vector<1000x3xf32>
    %add3A_95 = arith.addf %stack3A_93, %add3A_94 : vector<1000x3xf32>
    %mul3A_96 = vector.broadcast %get3A_74 : vector<1000x1xf32> to vector<1000x3xf32>
    %mul3A_97 = arith.mulf %add3A_95, %mul3A_96 : vector<1000x3xf32>
    %swap3A = arith.constant 0 : index
    %swap3A_98 = arith.constant 0 : index
    %swap3A_99 = vector.load %arg11[%swap3A, %swap3A_98] : memref<1000x3xf32, #tpu.memory_space<vmem>>, vector<1000x3xf32>
    tpu.vector_store %arg11[%swap3A, %swap3A_98], %mul3A_97 {strides = array<i32>} : memref<1000x3xf32, #tpu.memory_space<vmem>>, vector<1000x3xf32>,
    return
  }
  func.func @transform_0(%arg0: i32) -> (i32, i32) {
    %c0_i32 = arith.constant 0 : i32
    %c0_i32_0 = arith.constant 0 : i32
    return %arg0, %c0_i32 : i32, i32
  }
  func.func @transform_1(%arg0: i32) -> (i32, i32) {
    %c0_i32 = arith.constant 0 : i32
    %c0_i32_0 = arith.constant 0 : i32
    return %arg0, %c0_i32 : i32, i32
  }
  func.func @transform_2(%arg0: i32) -> (i32, i32) {
    %c0_i32 = arith.constant 0 : i32
    %c0_i32_0 = arith.constant 0 : i32
    return %arg0, %c0_i32 : i32, i32
  }
  func.func @transform_3(%arg0: i32) -> (i32, i32) {
    %c0_i32 = arith.constant 0 : i32
    %c0_i32_0 = arith.constant 0 : i32
    return %arg0, %c0_i32 : i32, i32
  }
  func.func @transform_4(%arg0: i32) -> (i32, i32) {
    %c0_i32 = arith.constant 0 : i32
    %c0_i32_0 = arith.constant 0 : i32
    return %arg0, %c0_i32 : i32, i32
  }
  func.func @transform_5(%arg0: i32) -> (i32, i32) {
    %c0_i32 = arith.constant 0 : i32
    %c0_i32_0 = arith.constant 0 : i32
    return %arg0, %c0_i32 : i32, i32
  }
  func.func @transform_6(%arg0: i32) -> (i32, i32) {
    %c0_i32 = arith.constant 0 : i32
    %c0_i32_0 = arith.constant 0 : i32
    %c0_i32_1 = arith.constant 0 : i32
    return %c0_i32, %c0_i32_0 : i32, i32
  }
  func.func @transform_7(%arg0: i32) -> (i32, i32) {
    %c0_i32 = arith.constant 0 : i32
    %c0_i32_0 = arith.constant 0 : i32
    %c0_i32_1 = arith.constant 0 : i32
    return %c0_i32, %c0_i32_0 : i32, i32
  }
  func.func @transform_8(%arg0: i32) -> (i32, i32) {
    %c0_i32 = arith.constant 0 : i32
    %c0_i32_0 = arith.constant 0 : i32
    %c0_i32_1 = arith.constant 0 : i32
    return %c0_i32, %c0_i32_0 : i32, i32
  }
  func.func @transform_9(%arg0: i32) -> i32 {
    %c0_i32 = arith.constant 0 : i32
    %c0_i32_0 = arith.constant 0 : i32
    return %c0_i32 : i32
  }
  func.func @transform_10(%arg0: i32) -> (i32, i32) {
    %c0_i32 = arith.constant 0 : i32
    %c0_i32_0 = arith.constant 0 : i32
    return %arg0, %c0_i32 : i32, i32
  }
}

</mosaic_0001>

<sc_bundles>
// kernel: kernel.5.cloned.1.call-start
scs
__scs_entry_jumppad:
0x0: {  	(pc) =	sbr.rel $0x88, $3  }
0x1: {  	(tag) =	ssettag $0x0;
	lr =	simm.s32 $0x1  }
0x2: {  	[smem:$0x3F97] =	sst lr;
	_ =	strace $0xD0000000  }
0x3: {  	_ = 	snop  }
0x4: {  	_ = 	snop  }
0x5: {  	_ = 	snop  }
0x6: {  	_ = 	snop  }
0x7: {  	_ = 	snop  }
__scs_overlays_trampoline_lowered:
0x8: {  	[smem:$0x3FA6] =	sst s0  }
0x9: {  	[smem:$0x3FA7] =	sst s1  }
0xa: {  	[smem:$0x3FA8] =	sst s2  }
0xb: {  	[smem:$0x3FA9] =	sst s3  }
0xc: {  	[smem:$0x3FAA] =	sst s4  }
0xd: {  	[smem:$0x3FAB] =	sst s5  }
0xe: {  	[smem:$0x3FAC] =	sst s6  }
0xf: {  	[smem:$0x3FAD] =	sst s7  }
0x10: {  	[smem:$0x3FAE] =	sst s8  }
0x11: {  	[smem:$0x3FAF] =	sst s9;
	s0 =	simm.s32 @!p0 $0x0  }
0x12: {  	s1 =	sld [smem:$0x3F95];
	s0 =	simm.s32 @p0 $0x1  }
0x13: {  	[smem:$0x3FB0] =	sst s0;
	s0 =	simm.s32 @!p1 $0x0  }
0x14: {  	s2 =	sld [smem:$0x3F94];
	s0 =	simm.s32 @p1 $0x1  }
0x15: {  	[smem:$0x3FB1] =	sst s0;
	s0 =	simm.s32 @!p2 $0x0  }
0x16: {  	s3 =	sld [smem:$0x3FDB];
	s0 =	simm.s32 @p2 $0x1  }
0x17: {  	s4 =	simm.s32 $0x1BF5;
	[smem:$0x3FB3] =	sst s0  }
0x18: {  	s0 =	sld [smem:$0x3F96];
	_ =	swait.ge [sflag:s4], $0x0  }
0x19: {  	s7 =	sld [smem:$0x3F97]  }
0x1a: {  	s8 =	sadd.s32 $0xFFFFE003, lr  }
0x1b: {  	s9 =	sadd.s32 $0xFFFFFEF7, lr;
	s5 =	simm.s32 $0xFFFFFFFF;
	p2 =	slt.u32 s8, $0xFFFFF086  }
0x1c: {  	p1 =	slt.u32 s9, $0xF7A;
	s5 =	simm.s32 @!p2 $0x0  }
0x1d: {  	s5 =	simm.s32 @p1 $0x1;
	p0 =	seq.s32 s7, s2  }
0x1e: {  	s7 =	smul.u32 @!p0 $0xF7A, s2;
	p2 =	seq.s32 @!p0 s5, $0x0  }
0x1f: {  	s9 =	smul.u32 $0xF7A, s1;
	s8 =	simm.s32 @!p0 $0x1BF5;
	p2 =	por !p2, p0  }
0x20: {  	[sflag:s8] =	ssyncset.s32 @!p0 $0xFFFFF086;
	s6 =	sadd.s32 @!p0 s3, s7;
	s7 =	simm.s32 @!p0 $0x108  }
0x21: {  	s3 =	sadd.s32 s3, s9;
	s6 =	sadd.s32 @!p0 $0x88, s6;
	s7 =	simm.s32 @p2 $0x1082  }
0x22: {  	[simem:s7], [sflag:s8] =	dma.local @!p0 [hbm:s6], $0xF7A  }
0x23: {  	s9 =	sor.u32 $0xD0000000, s2;
	s6 =	simm.s32 $0x108;
	_ =	swait.ge @!p0 [sflag:s8], $0x0  }
0x24: {  	s3 =	sadd.s32 $0x88, s3;
	s6 =	simm.s32 @!p1 $0x1082;
	[sflag:s4] =	ssyncset.s32 $0xFFFFF086  }
0x25: {  	[simem:s6], [sflag:s4] =	dma.local [hbm:s3], $0xF7A  }
0x26: {  	[smem:$0x3F97] =	sst s1;
	(tag) =	ssettag s2;
	_ =	strace s9  }
0x27: {  	s1 =	sld [smem:$0x3FA7]  }
0x28: {  	s2 =	sld [smem:$0x3FA8]  }
0x29: {  	s4 =	sld [smem:$0x3FAA]  }
0x2a: {  	p0 =	seq.s32 s5, $0x0;
	s5 =	sld [smem:$0x3FAB]  }
0x2b: {  	s6 =	sld [smem:$0x3FAC]  }
0x2c: {  	s7 =	sld [smem:$0x3FAD]  }
0x2d: {  	s3 =	simm.s32 $0x108;
	s8 =	sld [smem:$0x3FAE]  }
0x2e: {  	s3 =	simm.s32 @!p0 $0x1082;
	s9 =	sld [smem:$0x3FAF]  }
0x2f: {  	lr =	sadd.s32 s0, s3;
	s0 =	sld [smem:$0x3FA6]  }
0x30: {  	s3 =	sld [smem:$0x3FA9]  }
0x31: {  	[smem:$0x3FB2] =	sst s10  }
0x32: {  	s10 =	sld [smem:$0x3FB0];
	_ =	sdelay $0x3  }
0x33: {  	p0 =	seq.s32 s10, $0x1;
	s10 =	sld [smem:$0x3FB2];
	_ =	sdelay $0x3  }
0x34: {  	[smem:$0x3FB2] =	sst s10  }
0x35: {  	s10 =	sld [smem:$0x3FB1];
	_ =	sdelay $0x3  }
0x36: {  	p1 =	seq.s32 s10, $0x1;
	s10 =	sld [smem:$0x3FB2];
	_ =	sdelay $0x3  }
0x37: {  	[smem:$0x3FB2] =	sst s10  }
0x38: {  	s10 =	sld [smem:$0x3FB3]  }
0x39: {  	_ = 	snop;
	(pc) =	sbr.ind lr, $3  }
0x3a: {  	_ = 	snop  }
0x3b: {  	_ = 	snop  }
0x3c: {  	p2 =	seq.s32 s10, $0x1;
	s10 =	sld [smem:$0x3FB2]  }
0x3d: {  	_ =	shalt  }
0x3e: {  	_ =	shalt  }
0x3f: {  	_ =	shalt  }
0x40: {  	_ =	shalt  }
0x41: {  	_ =	shalt  }
0x42: {  	_ =	shalt  }
0x43: {  	_ =	shalt  }
0x44: {  	_ =	shalt  }
0x45: {  	_ =	shalt  }
0x46: {  	_ =	shalt  }
0x47: {  	_ =	shalt  }
0x48: {  	_ =	shalt  }
0x49: {  	_ =	shalt  }
0x4a: {  	_ =	shalt  }
0x4b: {  	_ =	shalt  }
0x4c: {  	_ =	shalt  }
0x4d: {  	_ =	shalt  }
0x4e: {  	_ =	shalt  }
0x4f: {  	_ =	shalt  }
0x50: {  	_ =	shalt  }
0x51: {  	_ =	shalt  }
0x52: {  	_ =	shalt  }
0x53: {  	_ =	shalt  }
0x54: {  	_ =	shalt  }
0x55: {  	_ =	shalt  }
0x56: {  	_ =	shalt  }
0x57: {  	_ =	shalt  }
0x58: {  	_ =	shalt  }
0x59: {  	_ =	shalt  }
0x5a: {  	_ =	shalt  }
0x5b: {  	_ =	shalt  }
0x5c: {  	_ =	shalt  }
0x5d: {  	_ =	shalt  }
0x5e: {  	_ =	shalt  }
0x5f: {  	_ =	shalt  }
0x60: {  	_ =	shalt  }
0x61: {  	_ =	shalt  }
0x62: {  	_ =	shalt  }
0x63: {  	_ =	shalt  }
0x64: {  	_ =	shalt  }
0x65: {  	_ =	shalt  }
0x66: {  	_ =	shalt  }
0x67: {  	_ =	shalt  }
0x68: {  	_ =	shalt  }
0x69: {  	_ =	shalt  }
0x6a: {  	_ =	shalt  }
0x6b: {  	_ =	shalt  }
0x6c: {  	_ =	shalt  }
0x6d: {  	_ =	shalt  }
0x6e: {  	_ =	shalt  }
0x6f: {  	_ =	shalt  }
0x70: {  	_ =	shalt  }
0x71: {  	_ =	shalt  }
0x72: {  	_ =	shalt  }
0x73: {  	_ =	shalt  }
0x74: {  	_ =	shalt  }
0x75: {  	_ =	shalt  }
0x76: {  	_ =	shalt  }
0x77: {  	_ =	shalt  }
0x78: {  	_ =	shalt  }
0x79: {  	_ =	shalt  }
0x7a: {  	_ =	shalt  }
0x7b: {  	_ =	shalt  }
0x7c: {  	_ =	shalt  }
0x7d: {  	_ =	shalt  }
0x7e: {  	_ =	shalt  }
0x7f: {  	_ =	shalt  }
0x80: {  	_ =	shalt  }
0x81: {  	_ =	shalt  }
0x82: {  	_ =	shalt  }
0x83: {  	_ =	shalt  }
0x84: {  	_ =	shalt  }
0x85: {  	_ =	shalt  }
0x86: {  	_ =	shalt  }
0x87: {  	_ =	shalt  }
.Lfunc_end0:
.L_simem_size_0:
called_computation_lowered:
.L_overlay_start_0:
0x88: {  	s2 =	sld [smem:$0x3FD9]  }
0x89: {  	s3 =	sld [smem:$0x3FFE];
	_ =	sdelay $0x1  }
0x8a: {  	s1 =	srdreg.scid  }
0x8b: {  	s0 =	sand.u32 $0x1, s1  }
0x8c: {  	s17 =	sshll.u32 s0, $0xA;
	s2 =	sadd.s32 s3, s2  }
0x8d: {  	s2 =	sadd.s32 s2, s17  }
0x8e: {  	[smem:$0x3FBE] =	sst s2  }
0x8f: {  	_ = 	snop  }
0x90: {  	s2 =	sld [smem:$0x3FC9]  }
0x91: {  	s18 =	sld [smem:$0x3FC8]  }
0x92: {  	s4 =	sld [smem:$0x3FC7]  }
0x93: {  	s5 =	sld [smem:$0x3FC6];
	(tm) =	ssettm $0x1  }
0x94: {  	s6 =	sld [smem:$0x3FFB];
	_ =	sdelay $0x3  }
0x95: {  	_ =	strace s6  }
0x96: {  	s6 =	sld [smem:$0x3FFC];
	_ =	sdelay $0x3  }
0x97: {  	_ =	strace s6  }
0x98: {  	s6 =	sld [smem:$0x3FFD];
	_ =	sdelay $0x3  }
0x99: {  	_ =	strace s6  }
0x9a: {  	_ =	strace $0x8FFFFFFF  }
0x9b: {  	s19 =	sld [smem:$0x3FDB];
	_ =	sdelay $0x1  }
0x9c: {  	s7 =	simm.s32 $_scs_section_size  }
0x9d: {  	s8 =	simm.s32 $_size__tile_overlayer_lowered;
	s9 =	simm.s32 $_tile_overlayer_lowered  }
0x9e: {  	s22 =	simm.s32 $0x1BFF;
	s21 =	sshll.u32 s9, $0x1;
	s6 =	sadd.s32 s7, s19  }
0x9f: {  	s10 =	simm.s32 $0x0;
	s20 =	sshll.u32 s8, $0x1;
	s8 =	sadd.s32 s21, s6  }
0xa0: {  	[timem:s10], [sflag:s22] =	dma.local [hbm:s8], s20  }
0xa1: {  	_ =	swait.ge [sflag:s22], s20  }
0xa2: {  	s7 =	ssub.s32 $0x0, s20;
	[sflag:s22] =	ssyncset.done $0x0  }
0xa3: {  	[sflag:s22] =	ssyncadd.s32 s7;
	_ =	sdelay $0x1  }
0xa4: {  	s23 =	simm.s32 $0x1B8B  }
0xa5: {  	_ =	swait.ge [sflag:s23], $0x1  }
0xa6: {  	[sflag:s23] =	ssyncset.done $0x0  }
0xa7: {  	s25 =	simm.s32 $0x1B8E;
	s24 =	sld [smem:$0x3FFE];
	[sflag:s23] =	ssyncadd.s32 $0xFFFFFFFF  }
0xa8: {  	s26 =	simm.s32 $execute0_lowered;
	[smem:$0x3FD2] =	sst s25  }
0xa9: {  	s8 =	sshll.u32 s26, $0x1;
	_ =	strace $0x80000046;
	[dreg:$0x1] =	wrdreg $0xFFFFFFFF  }
0xaa: {  	s28 =	simm.s32 $_size_execute0_lowered;
	s6 =	sadd.s32 s6, s8;
	[dreg:$0x0] =	wrdreg $0x0  }
0xab: {  	s8 =	sshll.u32 s28, $0x1;
	[dreg:$0x2] =	wrdreg s6  }
0xac: {  	[dreg:$0x3] =	wrdreg s8  }
0xad: {  	[dreg:$0x4] =	wrdreg $0xC0  }
0xae: {  	_ =	task [dreg:s10], $0x5FFFF  }
0xaf: {  	[dreg:$0x1] =	wrdreg $0xFFFFFFFF  }
0xb0: {  	[dreg:$0x0] =	wrdreg $0x60  }
0xb1: {  	[dreg:$0x2] =	wrdreg s2  }
0xb2: {  	[dreg:$0x3] =	wrdreg s18  }
0xb3: {  	[dreg:$0x4] =	wrdreg s4  }
0xb4: {  	[dreg:$0x5] =	wrdreg s5  }
0xb5: {  	[dreg:$0x6] =	wrdreg s24  }
0xb6: {  	[dreg:$0x7] =	wrdreg $0x0  }
0xb7: {  	[dreg:$0x8] =	wrdreg $0x9  }
0xb8: {  	_ =	task.clear_ibuf [dreg:s10], $0x9FFFF;
	_ =	strace $0x90000046  }
0xb9: {  	s29 =	simm.s32 $0x9;
	_ =	strace $0x80000048  }
0xba: {  	_ =	swait.ge [sflag:s29], $0x1  }
0xbb: {  	[sflag:s29] =	ssyncadd.s32 $0xFFFFFFFF  }
0xbc: {  	_ =	strace $0x90000048  }
0xbd: {  	_ =	sfence  }
0xbe: {  	s30 =	sld [smem:$0x0];
	_ =	sdelay $0x2  }
0xbf: {  	s31 =	sshll.u32 s1, $0xD;
	s1 =	sshrl.u32 s1, $0x2  }
0xc0: {  	s3 =	sand.u32 $0x4000, s31;
	s1 =	sadd.s32 s1, s30  }
0xc1: {  	s0 =	sor.u32 s3, s0;
	s1 =	sshll.u32 s1, $0x11  }
0xc2: {  	s0 =	sor.u32 s1, s0  }
0xc3: {  	s0 =	sadd.s32 $0x8F2B, s0  }
0xc4: {  	[sflag:s0] =	ssyncadd.remote.s32 $0x1  }
0xc5: {  	_ =	sfence.sel $0xFFFF  }
0xc6: {  	[dreg:$0x0] =	wrdreg $0xFFFFFFFF;
	(pc) =	sbr.abs _section_cstart, $3  }
0xc7: {  	[dreg:$0x1] =	wrdreg $0xFFFFFFFF  }
0xc8: {  	_ =	task.clear_ibuf [dreg:s10], $0x2FFFF;
	_ =	strace $0x9FFFFFFF  }
0xc9: {  	(tm) =	ssettm $0x7FFFFFFF  }
tec
execute0_lowered:
.L_overlay_start_1:
0x0: {  	(tag) =	ssettag $0x1  }
0x1: {  	s28 =	rddreg [dreg:$0x0]  }
0x2: {  	s2 =	rddreg [dreg:$0x1]  }
0x3: {  	s3 =	rddreg [dreg:$0x2]  }
0x4: {  	s4 =	rddreg [dreg:$0x3]  }
0x5: {  	s0 =	rddreg [dreg:$0x4]  }
0x6: {  	s6 =	rddreg [dreg:$0x5]  }
0x7: {  	s7 =	simm.s32 $0x0;
	s26 =	stileid.u32;
	s11 =	srdreg.scid  }
0x8: {  	[smem:$0x7FF] =	sst s7;
	s5 =	smul.u32 $0x4E20, s26;
	s8 =	sshrl.u32 s26, $0x3  }
0x9: {  	s9 =	sshll.u32 s26, $0x7;
	s12 =	sadd.s32 $0x1C00, s0;
	s11 =	sand.u32 $0x1, s11  }
0xa: {  	s15 =	sadd.s32 $0x41A00, s0;
	s16 =	sadd.s32 $0x8FE00, s0;
	s17 =	smul.u32 $0xA000, s26  }
0xb: {  	s25 =	sor.u32 $0x20, s26;
	s23 =	sor.u32 $0x30, s26;
	_ =	strace $0x80000047  }
0xc: {  	s8 =	smul.u32 $0x14000, s8;
	s9 =	sand.u32 $0x380, s9;
	[dreg:$0x7] =	wrdreg s15  }
0xd: {  	s13 =	ssub.s32 $0x2, s11;
	[dreg:$0x8] =	wrdreg s16;
	s1 =	smul.u32 $0xA000, s25  }
0xe: {  	s15 =	sor.u32 $0x70, s26;
	s16 =	sor.u32 $0x10, s26;
	s24 =	smul.u32 $0xA000, s23  }
0xf: {  	p0 =	seq.s32 s11, $0x0;
	p2 =	sne.s32 s11, $0x0;
	s20 =	smul.u32 $0xA000, s15  }
0x10: {  	s5 =	sshrl.u32 s5, $0x3;
	s14 =	sshrl.u32 s13, $0x1;
	s21 =	smul.u32 $0xA000, s16  }
0x11: {  	s18 =	smul.u32 $0x500, s16;
	p1 =	sgt.u32 s15, $0x7C;
	s10 =	sadd.s32 s5, s0  }
0x12: {  	s8 =	sor.u32 s9, s8;
	s13 =	ssub.s32 s13, s14;
	s9 =	sadd.s32 s12, s5  }
0x13: {  	s14 =	sshrl.u32 s17, $0x2;
	s17 =	smul.u32 $0x9C4, s26;
	p3 =	seq.s32 @!p1 s11, $0x0  }
0x14: {  	s8 =	sshrl.u32 s8, $0x3;
	s19 =	sadd.s32 $0xBA00, s10;
	[dreg:$0xc] =	wrdreg s18  }
0x15: {  	s13 =	smax.u32 s13, $0x1;
	s14 =	sadd.s32 s14, s6;
	[dreg:$0xa] =	wrdreg s9  }
0x16: {  	s10 =	sshrl.u32 s20, $0x2;
	s20 =	sor.u32 $0x40, s26;
	[dreg:$0x9] =	wrdreg s19  }
0x17: {  	s5 =	sshrl.u32 s21, $0x2;
	s8 =	sadd.s32 s8, s0;
	[dreg:$0xd] =	wrdreg s13  }
0x18: {  	s13 =	simm.s32 $0x1A800;
	s19 =	smul.u32 $0x500, s23;
	s22 =	sadd.s32 s10, s6  }
0x19: {  	s21 =	smul.u32 $0xA000, s20;
	s5 =	sadd.s32 s5, s6;
	[dreg:$0xf] =	wrdreg s14  }
0x1a: {  	s16 =	smul.u32 $0x500, s20;
	s23 =	sshrl.u32 s24, $0x2;
	[dreg:$0x13] =	wrdreg s5  }
0x1b: {  	s8 =	sadd.s32 $0x15800, s8;
	s13 =	simm.s32 @!p0 $0x68C00;
	[dreg:$0x11] =	wrdreg s22  }
0x1c: {  	s24 =	sor.u32 $0x60, s26;
	[dreg:$0xb] =	wrdreg s8;
	s0 =	sadd.s32 s13, s0  }
0x1d: {  	s13 =	smul.u32 $0x500, s25;
	s25 =	sshrl.u32 s1, $0x2;
	[dreg:$0x10] =	wrdreg s19  }
0x1e: {  	s8 =	smul.u32 $0x500, s24;
	[dreg:$0x12] =	wrdreg s16;
	s11 =	sadd.s32 s25, s6  }
0x1f: {  	s25 =	smul.u32 $0xA000, s24;
	s24 =	sadd.s32 s0, s18;
	[dreg:$0x14] =	wrdreg s11  }
0x20: {  	s17 =	sadd.s32 s17, s12;
	[dreg:$0x1e] =	wrdreg s24  }
0x21: {  	s1 =	sor.u32 $0x50, s26;
	s10 =	sshrl.u32 s21, $0x2;
	[dreg:$0xe] =	wrdreg s13  }
0x22: {  	s20 =	smul.u32 $0xA000, s1;
	s18 =	sadd.s32 $0x78000, s14;
	[dreg:$0x1a] =	wrdreg s8  }
0x23: {  	s12 =	smul.u32 $0x500, s1;
	s21 =	sadd.s32 s10, s6;
	[smem:$0x7F8] =	sst s18  }
0x24: {  	s1 =	smul.u32 $0x500, s26;
	s11 =	sadd.s32 s23, s6;
	[dreg:$0x17] =	wrdreg s21  }
0x25: {  	[dreg:$0x16] =	wrdreg s11  }
0x26: {  	[dreg:$0x18] =	wrdreg s1  }
0x27: {  	s8 =	sadd.s32 s0, s8;
	[dreg:$0x15] =	wrdreg s12  }
0x28: {  	s23 =	smul.u32 $0x500, s15;
	s15 =	sadd.s32 $0x28000, s14;
	[smem:$0x7F4] =	sst s8  }
0x29: {  	s30 =	simm.s32 $0x138D0;
	s24 =	sadd.s32 $0xA, s9;
	[smem:$0x7F6] =	sst s15  }
0x2a: {  	s5 =	sshrl.u32 s20, $0x2;
	s10 =	sadd.s32 s0, s1;
	[smem:$0x7FD] =	sst s24  }
0x2b: {  	s20 =	sshrl.u32 s25, $0x2;
	s25 =	sadd.s32 s0, s13;
	[dreg:$0x1d] =	wrdreg s10  }
0x2c: {  	s29 =	simm.s32 $0x1B000;
	s1 =	sadd.s32 s0, s19;
	[dreg:$0x1f] =	wrdreg s25  }
0x2d: {  	s31 =	simm.s32 $0x1;
	s11 =	sadd.s32 s0, s16;
	[smem:$0x7F1] =	sst s1  }
0x2e: {  	p3 =	por !p3, p1;
	s13 =	sadd.s32 s0, s12;
	[smem:$0x7F2] =	sst s11  }
0x2f: {  	s18 =	simm.s32 $0x18800;
	s16 =	sadd.s32 $0x50000, s14;
	[smem:$0x7F3] =	sst s13  }
0x30: {  	s19 =	sadd.s32 $0xA0000, s14;
	s12 =	simm.s32 $0x18780;
	[dreg:$0x1c] =	wrdreg s23  }
0x31: {  	s15 =	simm.s32 $0x4;
	s5 =	sadd.s32 s5, s6;
	[smem:$0x7F7] =	sst s16  }
0x32: {  	s0 =	sadd.s32 s0, s23;
	[smem:$0x7F9] =	sst s19;
	s23 =	sadd.s32 $0xF0000, s14  }
0x33: {  	s25 =	sadd.s32 $0x1E, s17;
	s13 =	simm.s32 $0x5;
	[dreg:$0x19] =	wrdreg s5  }
.Ltmp0:
0x34: {  	s11 =	simm.s32 $0x2;
	[smem:$0x7F5] =	sst s0;
	(pc) =	sbr.rel .LBB2_1-.Ltmp0, $4  }
0x35: {  	s1 =	simm.s32 $0x0;
	s5 =	sadd.s32 s20, s6;
	[smem:$0x7FB] =	sst s23  }
0x36: {  	s20 =	sadd.s32 $0xC8000, s14;
	[smem:$0x7FC] =	sst s25;
	s25 =	simm.s32 $0x13880  }
0x37: {  	s0 =	simm.s32 $0x18700;
	s14 =	simm.s32 $0x50;
	[dreg:$0x1b] =	wrdreg s5  }
0x38: {  	v0 =	vimm.f32 $0.0e+00;
	s23 =	simm.s32 $0x3;
	[smem:$0x7FA] =	sst s20;
	s5 =	simm.s32 $0x1D800  }
.LBB2_20:
0x39: {  	[tilespmem:s29], [sflag:$0x2] =	stream.indirect.gather [hbm4b:s4+s14], $0x80, s25, s14, $0xb8;
	v63 =	vld [tilespmem:$0x0]  }
.LBB2_21:
0x3a: {  	_ =	swait.ge [sflag:s31], $0x2800  }
0x3b: {  	[sflag:s31] =	ssyncset.done $0x0  }
0x3c: {  	[sflag:s31] =	ssyncadd.s32 $0xFFFFD800  }
0x3d: {  	_ =	swait.ge [sflag:s23], $0x50  }
0x3e: {  	[sflag:s23] =	ssyncset.done $0x0  }
0x3f: {  	[sflag:s23] =	ssyncadd.s32 $0xFFFFFFB0  }
0x40: {  	[spmem:s6] =	stream.indirect.scatter.add.f32 [tilespmem:s18], [sflag:$0x5], $0x80, s0, s14, $0xb8;
	v63 =	vld [tilespmem:$0x0]  }
0x41: {  	_ =	swait.ge [sflag:s13], $0x2800  }
0x42: {  	[sflag:s13] =	ssyncset.done $0x0  }
0x43: {  	[sflag:s13] =	ssyncadd.s32 $0xFFFFD800  }
0x44: {  	_ =	swait.ge [sflag:s11], $0x2800  }
0x45: {  	[sflag:s11] =	ssyncset.done $0x0  }
0x46: {  	[sflag:s11] =	ssyncadd.s32 $0xFFFFD800  }
0x47: {  	_ =	swait.ge [sflag:s15], $0x50  }
0x48: {  	[sflag:s15] =	ssyncset.done $0x0  }
0x49: {  	[sflag:s15] =	ssyncadd.s32 $0xFFFFFFB0  }
0x4a: {  	[spmem:s6] =	stream.indirect.scatter.add.f32 [tilespmem:s29], [sflag:$0x5], $0x80, s12, s14, $0xb8;
	v63 =	vld [tilespmem:$0x0]  }
0x4b: {  	_ =	swait.ge [sflag:s13], $0x2800  }
0x4c: {  	[sflag:s13] =	ssyncset.done $0x0  }
0x4d: {  	[sflag:s13] =	ssyncadd.s32 $0xFFFFD800  }
0x4e: {  	[bflag:$0x0] =	sbarrier.arrive $0xFFFF  }
0x4f: {  	s24 =	rddreg [dreg:$0x8]  }
0x50: {  	s19 =	rddreg [dreg:$0x18]  }
0x51: {  	s8 =	sshll.u32 @p2 s26, $0x6;
	s10 =	rddreg [dreg:$0xf]  }
0x52: {  	s8 =	sor.u32 @p2 $0x1C05, s8;
	s9 =	sadd.s32 @p2 s24, s19;
	s16 =	sshrl.u32 @p2 s10, $0x3  }
0x53: {  	[hbm:s9], [sflag:s8] =	dma.local @p2 [spmem:s16], $0x500  }
0x54: {  	s9 =	simm.s32 @p2 $0x5  }
0x55: {  	_ =	swait.ge @p2 [sflag:s9], $0x500  }
0x56: {  	[sflag:s9] =	ssyncset.done @p2 $0x0;
	s22 =	rddreg [dreg:$0x7]  }
0x57: {  	s25 =	sshrl.u32 @!p2 s10, $0x3;
	[sflag:s9] =	ssyncadd.s32 @p2 $0xFFFFFB00;
	s16 =	sadd.s32 @!p2 s22, s19  }
0x58: {  	[hbm:s16], [sflag:s28] =	dma.local @!p2 [spmem:s25], $0x500  }
0x59: {  	s25 =	simm.s32 @!p2 $0x6  }
0x5a: {  	s16 =	simm.s32 @!p2 $0x6;
	s25 =	simm.s32 @p2 $0x5  }
0x5b: {  	_ =	swait.ge @!p2 [sflag:s16], $0x500;
	s1 =	sadd.s32 s25, s20  }
0x5c: {  	s30 =	smov.u32 s22;
	s26 =	sadd.s32 $0x1C00, s1;
	s1 =	sld [smem:$0x7EB]  }
0x5d: {  	s30 =	smov.u32 @p2 s24;
	[sflag:s16] =	ssyncset.done @!p2 $0x0;
	s19 =	rddreg [dreg:$0xc]  }
0x5e: {  	[sflag:s16] =	ssyncadd.s32 @!p2 $0xFFFFFB00;
	s10 =	sadd.s32 s30, s19  }
0x5f: {  	[hbm:s10], [sflag:s26] =	dma.local [spmem:s1], $0x500  }
0x60: {  	_ =	swait.ge [sflag:s25], $0x500  }
0x61: {  	s1 =	smov.u32 s20;
	s20 =	rddreg [dreg:$0xe]  }
0x62: {  	[sflag:s25] =	ssyncset.done $0x0;
	s21 =	rddreg [dreg:$0x14]  }
0x63: {  	[sflag:s25] =	ssyncadd.s32 $0xFFFFFB00;
	s10 =	sadd.s32 @p2 s24, s20;
	s19 =	sshrl.u32 @p2 s21, $0x3  }
0x64: {  	[hbm:s10], [sflag:s8] =	dma.local @p2 [spmem:s19], $0x500  }
0x65: {  	_ =	swait.ge @p2 [sflag:s9], $0x500  }
0x66: {  	[sflag:s9] =	ssyncset.done @p2 $0x0  }
0x67: {  	s10 =	sadd.s32 @!p2 s22, s20;
	s19 =	sshrl.u32 @!p2 s21, $0x3;
	[sflag:s9] =	ssyncadd.s32 @p2 $0xFFFFFB00  }
0x68: {  	[hbm:s10], [sflag:s28] =	dma.local @!p2 [spmem:s19], $0x500  }
0x69: {  	_ =	swait.ge @!p2 [sflag:s16], $0x500  }
0x6a: {  	s21 =	sld [smem:$0x7EC]  }
0x6b: {  	[sflag:s16] =	ssyncset.done @!p2 $0x0;
	s20 =	rddreg [dreg:$0x10]  }
0x6c: {  	[sflag:s16] =	ssyncadd.s32 @!p2 $0xFFFFFB00;
	s10 =	sadd.s32 s30, s20  }
0x6d: {  	[hbm:s10], [sflag:s26] =	dma.local [spmem:s21], $0x500  }
0x6e: {  	_ =	swait.ge [sflag:s25], $0x500  }
0x6f: {  	s20 =	rddreg [dreg:$0x12]  }
0x70: {  	[sflag:s25] =	ssyncset.done $0x0;
	s21 =	rddreg [dreg:$0x17]  }
0x71: {  	[sflag:s25] =	ssyncadd.s32 $0xFFFFFB00;
	s10 =	sadd.s32 @p2 s24, s20;
	s19 =	sshrl.u32 @p2 s21, $0x3  }
0x72: {  	[hbm:s10], [sflag:s8] =	dma.local @p2 [spmem:s19], $0x500  }
0x73: {  	_ =	swait.ge @p2 [sflag:s9], $0x500  }
0x74: {  	[sflag:s9] =	ssyncset.done @p2 $0x0  }
0x75: {  	s8 =	sadd.s32 @!p2 s22, s20;
	[sflag:s9] =	ssyncadd.s32 @p2 $0xFFFFFB00;
	s9 =	sshrl.u32 @!p2 s21, $0x3  }
0x76: {  	[hbm:s8], [sflag:s28] =	dma.local @!p2 [spmem:s9], $0x500  }
0x77: {  	_ =	swait.ge @!p2 [sflag:s16], $0x500  }
0x78: {  	[sflag:s16] =	ssyncset.done @!p2 $0x0  }
0x79: {  	[sflag:s16] =	ssyncadd.s32 @!p2 $0xFFFFFB00;
	s16 =	sld [smem:$0x7ED]  }
0x7a: {  	s8 =	sor.u32 $0x1C00, s1;
	s20 =	rddreg [dreg:$0x15]  }
0x7b: {  	s10 =	simm.s32 $0x6;
	s1 =	sadd.s32 s8, s25;
	s9 =	sadd.s32 s30, s20  }
0x7c: {  	[hbm:s9], [sflag:s1] =	dma.local [spmem:s16], $0x500  }
0x7d: {  	s26 =	stileid.u32;
	s10 =	simm.s32 @!p0 $0x5;
	_ =	swait.ge [sflag:s25], $0x500  }
0x7e: {  	s8 =	sor.u32 s8, s10;
	s9 =	smov.u32 s24;
	s20 =	sld [smem:$0x7EE]  }
0x7f: {  	s9 =	smov.u32 @p0 s22;
	[sflag:s25] =	ssyncset.done $0x0;
	s19 =	rddreg [dreg:$0x1a]  }
0x80: {  	s16 =	sshll.u32 @!p1 s26, $0x6;
	[sflag:s25] =	ssyncadd.s32 $0xFFFFFB00;
	s9 =	sadd.s32 s9, s19  }
0x81: {  	[hbm:s9], [sflag:s8] =	dma.local [spmem:s20], $0x500  }
0x82: {  	s22 =	smov.u32 @p3 s24;
	s8 =	simm.s32 @!p1 $0x6;
	_ =	swait.ge [sflag:s10], $0x500  }
0x83: {  	s8 =	simm.s32 @p3 $0x5;
	[sflag:s10] =	ssyncset.done $0x0;
	s1 =	sld [smem:$0x7EF]  }
0x84: {  	s16 =	sor.u32 @!p1 s8, s16;
	[sflag:s10] =	ssyncadd.s32 $0xFFFFFB00;
	s10 =	rddreg [dreg:$0x1c]  }
0x85: {  	s9 =	sadd.s32 @!p1 s22, s10;
	s10 =	sor.u32 @!p1 $0x1C00, s16  }
0x86: {  	[hbm:s9], [sflag:s10] =	dma.local @!p1 [spmem:s1], $0x500  }
0x87: {  	_ =	swait.ge @!p1 [sflag:s8], $0x500  }
0x88: {  	s24 =	sld [smem:$0x7F0];
	_ =	sdelay $0x2  }
0x89: {  	s25 =	rddreg [dreg:$0xd];
	s1 =	sadd.s32 $0x1, s24  }
0x8a: {  	p4 =	sne.s32 s1, s25  }
.Ltmp1:
0x8b: {  	_ = 	snop;
	(pc) =	sbr.rel @!p4 .LBB2_22-.Ltmp1, $4  }
0x8c: {  	[sflag:s8] =	ssyncset.done @!p1 $0x0;
	s9 =	rddreg [dreg:$0xa]  }
0x8d: {  	s22 =	rddreg [dreg:$0x11];
	[sflag:s8] =	ssyncadd.s32 @!p1 $0xFFFFFB00  }
0x8e: {  	s28 =	rddreg [dreg:$0x0]  }
0x8f: {  	s30 =	simm.s32 $0x138D0;
	s24 =	sld [smem:$0x7FD];
	s25 =	simm.s32 $0x13880  }
.LBB2_1:
0x90: {  	[smem:$0x7F0] =	sst s1  }
0x91: {  	s8 =	rddreg [dreg:$0x9]  }
0x92: {  	[tilespmem:s25], [sflag:$0x5] =	stream.linear.gather [hbm4b:s8+s7], $0x4E20, $0x38;
	v63 =	vld [tilespmem:$0x0]  }
0x93: {  	_ =	swait.ge [sflag:s13], $0x4E20  }
0x94: {  	[sflag:s13] =	ssyncset.done $0x0  }
0x95: {  	s10 =	simm.s32 $0x200;
	s8 =	simm.s32 $0x0;
	[sflag:s13] =	ssyncadd.s32 $0xFFFFB1E0  }
.LBB2_2:
0x96: {  	p4 =	sne.s32 s10, $0x9E00;
	[tilespmem:s8+$0x18870] =	vst v0  }
0x97: {  	[tilespmem:s8+$0x18800] =	vst v0  }
0x98: {  	[tilespmem:s8+$0x18810] =	vst v0  }
.Ltmp2:
0x99: {  	[tilespmem:s8+$0x18820] =	vst v0;
	(pc) =	sbr.rel @p4 .LBB2_2-.Ltmp2, $4  }
0x9a: {  	[tilespmem:s8+$0x18830] =	vst v0  }
0x9b: {  	[tilespmem:s8+$0x18840] =	vst v0  }
0x9c: {  	[tilespmem:s8+$0x18850] =	vst v0  }
0x9d: {  	[tilespmem:s8+$0x18860] =	vst v0;
	s8 =	sshra.s32 s10, $0x2;
	s10 =	sadd.s32 $0x200, s10  }
0x9e: {  	[tilespmem:s8+$0x18870] =	vst v0  }
0x9f: {  	[tilespmem:s8+$0x18800] =	vst v0  }
0xa0: {  	[tilespmem:s8+$0x18810] =	vst v0  }
0xa1: {  	[tilespmem:s8+$0x18820] =	vst v0  }
0xa2: {  	[tilespmem:s8+$0x18830] =	vst v0  }
0xa3: {  	[tilespmem:s8+$0x18840] =	vst v0  }
0xa4: {  	[tilespmem:s8+$0x18850] =	vst v0  }
0xa5: {  	[tilespmem:s8+$0x18860] =	vst v0;
	s8 =	simm.s32 $0x40;
	s10 =	simm.s32 $0x0  }
.LBB2_4:
0xa6: {  	p4 =	sne.s32 s8, $0x9FC0;
	[tilespmem:s10+$0x1D800] =	vst v0;
	s10 =	smov.u32 s8;
	s8 =	sadd.s32 $0x40, s8  }
.Ltmp3:
0xa7: {  	(pc) =	sbr.rel @p4 .LBB2_4-.Ltmp3, $2  }
0xa8: {  	_ =	sdelay $0x2  }
0xa9: {  	s10 =	sshra.s32 s10, $0x2  }
0xaa: {  	[tilespmem:s10+$0x1D800] =	vst v0;
	s8 =	rddreg [dreg:$0xf]  }
0xab: {  	[spmem:s8] =	stream.linear.scatter [tilespmem:s18], [sflag:$0x5], $0x2800, $0x38;
	v63 =	vld [tilespmem:$0x0]  }
0xac: {  	_ =	swait.ge [sflag:s13], $0x2800  }
0xad: {  	s20 =	sld [smem:$0x7F6]  }
0xae: {  	[sflag:s13] =	ssyncset.done $0x0  }
0xaf: {  	[sflag:s13] =	ssyncadd.s32 $0xFFFFD800  }
0xb0: {  	[spmem:s20] =	stream.linear.scatter [tilespmem:s18], [sflag:$0x5], $0x2800, $0x38;
	v63 =	vld [tilespmem:$0x0]  }
0xb1: {  	_ =	swait.ge [sflag:s13], $0x2800  }
0xb2: {  	s1 =	sld [smem:$0x7F7]  }
0xb3: {  	[sflag:s13] =	ssyncset.done $0x0  }
0xb4: {  	[sflag:s13] =	ssyncadd.s32 $0xFFFFD800  }
0xb5: {  	[spmem:s1] =	stream.linear.scatter [tilespmem:s18], [sflag:$0x5], $0x2800, $0x38;
	v63 =	vld [tilespmem:$0x0]  }
0xb6: {  	_ =	swait.ge [sflag:s13], $0x2800  }
0xb7: {  	s10 =	sld [smem:$0x7F8]  }
0xb8: {  	[sflag:s13] =	ssyncset.done $0x0  }
0xb9: {  	[sflag:s13] =	ssyncadd.s32 $0xFFFFD800  }
0xba: {  	[spmem:s10] =	stream.linear.scatter [tilespmem:s18], [sflag:$0x5], $0x2800, $0x38;
	v63 =	vld [tilespmem:$0x0]  }
0xbb: {  	_ =	swait.ge [sflag:s13], $0x2800  }
0xbc: {  	s16 =	sld [smem:$0x7F9]  }
0xbd: {  	[sflag:s13] =	ssyncset.done $0x0  }
0xbe: {  	[sflag:s13] =	ssyncadd.s32 $0xFFFFD800  }
0xbf: {  	[spmem:s16] =	stream.linear.scatter [tilespmem:s18], [sflag:$0x5], $0x2800, $0x38;
	v63 =	vld [tilespmem:$0x0]  }
0xc0: {  	_ =	swait.ge [sflag:s13], $0x2800  }
0xc1: {  	s19 =	sld [smem:$0x7FA]  }
0xc2: {  	[sflag:s13] =	ssyncset.done $0x0  }
0xc3: {  	[sflag:s13] =	ssyncadd.s32 $0xFFFFD800  }
0xc4: {  	[spmem:s19] =	stream.linear.scatter [tilespmem:s18], [sflag:$0x5], $0x2800, $0x38;
	v63 =	vld [tilespmem:$0x0]  }
0xc5: {  	_ =	swait.ge [sflag:s13], $0x2800  }
0xc6: {  	s20 =	sld [smem:$0x7FB]  }
0xc7: {  	[sflag:s13] =	ssyncset.done $0x0  }
0xc8: {  	[sflag:s13] =	ssyncadd.s32 $0xFFFFD800  }
0xc9: {  	[spmem:s20] =	stream.linear.scatter [tilespmem:s18], [sflag:$0x5], $0x2800, $0x38;
	v63 =	vld [tilespmem:$0x0]  }
0xca: {  	_ =	swait.ge [sflag:s13], $0x2800  }
0xcb: {  	[sflag:s13] =	ssyncset.done $0x0  }
0xcc: {  	s8 =	simm.s32 @!p1 $0x18800;
	[sflag:s13] =	ssyncadd.s32 $0xFFFFD800  }
0xcd: {  	[spmem:s22] =	stream.linear.scatter @!p1 [tilespmem:s8], [sflag:$0x5], $0x2800, $0x38;
	v63 =	vld [tilespmem:$0x0]  }
0xce: {  	s8 =	simm.s32 @!p1 $0x5  }
0xcf: {  	_ =	swait.ge @!p1 [sflag:s8], $0x2800  }
0xd0: {  	[sflag:s8] =	ssyncset.done @!p1 $0x0  }
.Ltmp4:
0xd1: {  	[sflag:s8] =	ssyncadd.s32 @!p1 $0xFFFFD800;
	(pc) =	sbr.rel @p2 .LBB2_9-.Ltmp4, $4  }
0xd2: {  	[bflag:$0x0] =	sbarrier.arrive $0xFFFF  }
0xd3: {  	[tilespmem:s0], [sflag:$0x3] =	stream.linear.gather [hbm4b:s9+s7], $0x50, $0x38;
	v63 =	vld [tilespmem:$0x0]  }
0xd4: {  	_ = 	snop  }
0xd5: {  	[tilespmem:s12], [sflag:$0x4] =	stream.linear.gather [hbm4b:s24+s7], $0x50, $0x38;
	v63 =	vld [tilespmem:$0x0]  }
0xd6: {  	[tilespmem:s18], [sflag:$0x1] =	stream.indirect.gather [hbm4b:s28+s14], $0x80, s25, s14, $0xb8;
	v63 =	vld [tilespmem:$0x0]  }
0xd7: {  	s10 =	simm.s32 $0xFFFECA00;
	s19 =	sld [smem:$0x7FC]  }
0xd8: {  	[tilespmem:s29], [sflag:$0x2] =	stream.indirect.gather [hbm4b:s28+s14], $0x80, s30, s14, $0xb8;
	v63 =	vld [tilespmem:$0x0]  }
.LBB2_7:
0xd9: {  	_ =	swait.ge [sflag:s31], $0x2800  }
0xda: {  	[sflag:s31] =	ssyncset.done $0x0  }
0xdb: {  	[sflag:s31] =	ssyncadd.s32 $0xFFFFD800  }
0xdc: {  	_ =	swait.ge [sflag:s23], $0x50  }
0xdd: {  	[sflag:s23] =	ssyncset.done $0x0  }
0xde: {  	[sflag:s23] =	ssyncadd.s32 $0xFFFFFFB0  }
0xdf: {  	[spmem:s6] =	stream.indirect.scatter.add.f32 [tilespmem:s18], [sflag:$0x5], $0x80, s0, s14, $0xb8;
	v63 =	vld [tilespmem:$0x0]  }
0xe0: {  	_ =	swait.ge [sflag:s13], $0x2800  }
0xe1: {  	[sflag:s13] =	ssyncset.done $0x0  }
0xe2: {  	[sflag:s13] =	ssyncadd.s32 $0xFFFFD800  }
0xe3: {  	v1 =	vld [tilespmem:$0x18700];
	_ =	sdelay $0x4  }
0xe4: {  	(xrf1) =	vunique.msk.u32 $0xffff, v1;
	_ =	sdelay $0xd  }
0xe5: {  	_, v2, vm0 =	vpop (xrf1);
	_ =	sdelay $0x3  }
0xe6: {  	v2 =	vcvt.s32.f32 v2;
	_ =	sdelay $0x1  }
0xe7: {  	[tilespmem:v1+s5+$0x0] =	vst.idx.add.f32.msk vm0, v2  }
0xe8: {  	v1 =	vld [tilespmem:$0x18710];
	_ =	sdelay $0x4  }
0xe9: {  	(xrf1) =	vunique.msk.u32 $0xffff, v1;
	_ =	sdelay $0xd  }
0xea: {  	_, v2, vm0 =	vpop (xrf1);
	_ =	sdelay $0x3  }
0xeb: {  	v2 =	vcvt.s32.f32 v2;
	_ =	sdelay $0x1  }
0xec: {  	[tilespmem:v1+s5+$0x0] =	vst.idx.add.f32.msk vm0, v2  }
0xed: {  	v1 =	vld [tilespmem:$0x18720];
	_ =	sdelay $0x4  }
0xee: {  	(xrf1) =	vunique.msk.u32 $0xffff, v1;
	_ =	sdelay $0xd  }
0xef: {  	_, v2, vm0 =	vpop (xrf1);
	_ =	sdelay $0x3  }
0xf0: {  	v2 =	vcvt.s32.f32 v2;
	_ =	sdelay $0x1  }
0xf1: {  	[tilespmem:v1+s5+$0x0] =	vst.idx.add.f32.msk vm0, v2  }
0xf2: {  	v1 =	vld [tilespmem:$0x18730];
	_ =	sdelay $0x4  }
0xf3: {  	(xrf1) =	vunique.msk.u32 $0xffff, v1;
	_ =	sdelay $0xd  }
0xf4: {  	_, v2, vm0 =	vpop (xrf1);
	_ =	sdelay $0x3  }
0xf5: {  	v2 =	vcvt.s32.f32 v2;
	_ =	sdelay $0x1  }
0xf6: {  	[tilespmem:v1+s5+$0x0] =	vst.idx.add.f32.msk vm0, v2  }
0xf7: {  	v1 =	vld [tilespmem:$0x18740];
	_ =	sdelay $0x4  }
0xf8: {  	(xrf1) =	vunique.msk.u32 $0xffff, v1;
	_ =	sdelay $0xd  }
0xf9: {  	_, v2, vm0 =	vpop (xrf1);
	_ =	sdelay $0x3  }
0xfa: {  	v2 =	vcvt.s32.f32 v2  }
0xfb: {  	p4 =	seq.s32 s10, $0x0  }
0xfc: {  	s8 =	sadd.s32 @!p4 $0xFFFFFFF6, s19;
	s16 =	simm.s32 @!p4 $0x0;
	s20 =	simm.s32 @!p4 $0x18700;
	[tilespmem:v1+s5+$0x0] =	vst.idx.add.f32.msk vm0, v2  }
0xfd: {  	[tilespmem:s20], [sflag:$0x3] =	stream.linear.gather @!p4 [hbm4b:s8+s16], $0x50, $0x38;
	v63 =	vld [tilespmem:$0x0]  }
0xfe: {  	s8 =	sshra.s32 @!p4 s10, $0x2  }
0xff: {  	s16 =	simm.s32 @!p4 $0x50;
	s20 =	simm.s32 @!p4 $0x18800;
	s8 =	sadd.s32 @!p4 $0x186A0, s8  }
0x100: {  	[tilespmem:s20], [sflag:$0x1] =	stream.indirect.gather @!p4 [hbm4b:s28+s16], $0x80, s8, s16, $0xb8;
	v63 =	vld [tilespmem:$0x0]  }
0x101: {  	_ =	swait.ge [sflag:s11], $0x2800  }
0x102: {  	[sflag:s11] =	ssyncset.done $0x0  }
0x103: {  	[sflag:s11] =	ssyncadd.s32 $0xFFFFD800  }
0x104: {  	_ =	swait.ge [sflag:s15], $0x50  }
0x105: {  	[sflag:s15] =	ssyncset.done $0x0  }
0x106: {  	[sflag:s15] =	ssyncadd.s32 $0xFFFFFFB0  }
0x107: {  	[spmem:s6] =	stream.indirect.scatter.add.f32 [tilespmem:s29], [sflag:$0x5], $0x80, s12, s14, $0xb8;
	v63 =	vld [tilespmem:$0x0]  }
0x108: {  	_ =	swait.ge [sflag:s13], $0x2800  }
0x109: {  	[sflag:s13] =	ssyncset.done $0x0  }
0x10a: {  	[sflag:s13] =	ssyncadd.s32 $0xFFFFD800  }
0x10b: {  	v1 =	vld [tilespmem:$0x18780];
	_ =	sdelay $0x4  }
0x10c: {  	(xrf1) =	vunique.msk.u32 $0xffff, v1;
	_ =	sdelay $0xd  }
0x10d: {  	_, v2, vm0 =	vpop (xrf1);
	_ =	sdelay $0x3  }
0x10e: {  	v2 =	vcvt.s32.f32 v2;
	_ =	sdelay $0x1  }
0x10f: {  	[tilespmem:v1+s5+$0x0] =	vst.idx.add.f32.msk vm0, v2  }
0x110: {  	v1 =	vld [tilespmem:$0x18790];
	_ =	sdelay $0x4  }
0x111: {  	(xrf1) =	vunique.msk.u32 $0xffff, v1;
	_ =	sdelay $0xd  }
0x112: {  	_, v2, vm0 =	vpop (xrf1);
	_ =	sdelay $0x3  }
0x113: {  	v2 =	vcvt.s32.f32 v2;
	_ =	sdelay $0x1  }
0x114: {  	[tilespmem:v1+s5+$0x0] =	vst.idx.add.f32.msk vm0, v2  }
0x115: {  	v1 =	vld [tilespmem:$0x187A0];
	_ =	sdelay $0x4  }
0x116: {  	(xrf1) =	vunique.msk.u32 $0xffff, v1;
	_ =	sdelay $0xd  }
0x117: {  	_, v2, vm0 =	vpop (xrf1);
	_ =	sdelay $0x3  }
0x118: {  	v2 =	vcvt.s32.f32 v2;
	_ =	sdelay $0x1  }
0x119: {  	[tilespmem:v1+s5+$0x0] =	vst.idx.add.f32.msk vm0, v2  }
0x11a: {  	v1 =	vld [tilespmem:$0x187B0];
	_ =	sdelay $0x4  }
0x11b: {  	(xrf1) =	vunique.msk.u32 $0xffff, v1;
	_ =	sdelay $0xd  }
0x11c: {  	_, v2, vm0 =	vpop (xrf1);
	_ =	sdelay $0x3  }
0x11d: {  	v2 =	vcvt.s32.f32 v2;
	_ =	sdelay $0x1  }
0x11e: {  	[tilespmem:v1+s5+$0x0] =	vst.idx.add.f32.msk vm0, v2  }
0x11f: {  	v1 =	vld [tilespmem:$0x187C0];
	_ =	sdelay $0x4  }
0x120: {  	(xrf1) =	vunique.msk.u32 $0xffff, v1;
	_ =	sdelay $0xd  }
0x121: {  	_, v2, vm0 =	vpop (xrf1);
	_ =	sdelay $0x1  }
.Ltmp5:
0x122: {  	_ = 	snop;
	(pc) =	sbr.rel @p4 .LBB2_23-.Ltmp5, $3  }
0x123: {  	_ = 	snop  }
0x124: {  	v2 =	vcvt.s32.f32 v2;
	_ =	sdelay $0x1  }
0x125: {  	[tilespmem:v1+s5+$0x0] =	vst.idx.add.f32.msk vm0, v2  }
.Ltmp6:
0x126: {  	(pc) =	sbr.rel .LBB2_7-.Ltmp6, $4  }
0x127: {  	[tilespmem:s12], [sflag:$0x4] =	stream.linear.gather [hbm4b:s19+s7], $0x50, $0x38;
	v63 =	vld [tilespmem:$0x0]  }
0x128: {  	s8 =	sshra.s32 s10, $0x2  }
0x129: {  	s19 =	sadd.s32 $0x14, s19;
	s10 =	sadd.s32 $0x280, s10;
	s8 =	sadd.s32 $0x186F0, s8  }
0x12a: {  	[tilespmem:s29], [sflag:$0x2] =	stream.indirect.gather [hbm4b:s28+s14], $0x80, s8, s14, $0xb8;
	v63 =	vld [tilespmem:$0x0]  }
.LBB2_9:
0x12b: {  	[tilespmem:s18], [sflag:$0x1] =	stream.indirect.gather [hbm4b:s3+s14], $0x80, s25, s14, $0xb8;
	v63 =	vld [tilespmem:$0x0]  }
0x12c: {  	_ = 	snop  }
0x12d: {  	[tilespmem:s29], [sflag:$0x2] =	stream.indirect.gather [hbm4b:s3+s14], $0x80, s30, s14, $0xb8;
	v63 =	vld [tilespmem:$0x0]  }
0x12e: {  	_ =	swait.ge [sflag:s31], $0x2800  }
0x12f: {  	[sflag:s31] =	ssyncset.done $0x0  }
0x130: {  	[sflag:s31] =	ssyncadd.s32 $0xFFFFD800  }
0x131: {  	_ =	swait.ge [sflag:s23], $0x50  }
0x132: {  	[sflag:s23] =	ssyncset.done $0x0  }
0x133: {  	[sflag:s23] =	ssyncadd.s32 $0xFFFFFFB0  }
0x134: {  	[spmem:s6] =	stream.indirect.scatter.add.f32 [tilespmem:s18], [sflag:$0x5], $0x80, s0, s14, $0xb8;
	v63 =	vld [tilespmem:$0x0]  }
0x135: {  	_ =	swait.ge [sflag:s13], $0x2800  }
0x136: {  	s8 =	sadd.s32 $0xFFFFF650, s17;
	[sflag:s13] =	ssyncset.done $0x0  }
0x137: {  	s10 =	sadd.s32 $0x9C4, s8;
	[sflag:s13] =	ssyncadd.s32 $0xFFFFD800  }
0x138: {  	[tilespmem:s0], [sflag:$0x3] =	stream.linear.gather [hbm4b:s10+s7], $0x50, $0x38;
	v63 =	vld [tilespmem:$0x0]  }
0x139: {  	s28 =	simm.s32 $0x13920  }
0x13a: {  	[tilespmem:s18], [sflag:$0x1] =	stream.indirect.gather [hbm4b:s3+s14], $0x80, s28, s14, $0xb8;
	v63 =	vld [tilespmem:$0x0]  }
0x13b: {  	_ =	swait.ge [sflag:s11], $0x2800  }
0x13c: {  	[sflag:s11] =	ssyncset.done $0x0  }
0x13d: {  	[sflag:s11] =	ssyncadd.s32 $0xFFFFD800  }
0x13e: {  	_ =	swait.ge [sflag:s15], $0x50  }
0x13f: {  	[sflag:s15] =	ssyncset.done $0x0  }
0x140: {  	[sflag:s15] =	ssyncadd.s32 $0xFFFFFFB0  }
0x141: {  	[spmem:s6] =	stream.indirect.scatter.add.f32 [tilespmem:s29], [sflag:$0x5], $0x80, s12, s14, $0xb8;
	v63 =	vld [tilespmem:$0x0]  }
0x142: {  	_ =	swait.ge [sflag:s13], $0x2800  }
0x143: {  	s19 =	simm.s32 $0xFFFFF664;
	s16 =	simm.s32 $0x13A10;
	[sflag:s13] =	ssyncset.done $0x0  }
0x144: {  	s8 =	sadd.s32 $0x9CE, s8;
	s10 =	simm.s32 $0x13970;
	[sflag:s13] =	ssyncadd.s32 $0xFFFFD800  }
0x145: {  	[tilespmem:s12], [sflag:$0x4] =	stream.linear.gather [hbm4b:s8+s7], $0x50, $0x38;
	v63 =	vld [tilespmem:$0x0]  }
.LBB2_10:
0x146: {  	[tilespmem:s29], [sflag:$0x2] =	stream.indirect.gather [hbm4b:s3+s14], $0x80, s10, s14, $0xb8;
	v63 =	vld [tilespmem:$0x0]  }
0x147: {  	s8 =	smov.u32 s19;
	s10 =	smov.u32 s16  }
0x148: {  	p4 =	seq.s32 s19, $0xFFFFFFEC;
	s19 =	sadd.s32 $0x14, s19;
	_ =	swait.ge [sflag:s31], $0x2800  }
0x149: {  	[sflag:s31] =	ssyncset.done $0x0  }
0x14a: {  	[sflag:s31] =	ssyncadd.s32 $0xFFFFD800  }
0x14b: {  	_ =	swait.ge [sflag:s23], $0x50  }
0x14c: {  	[sflag:s23] =	ssyncset.done $0x0  }
0x14d: {  	[sflag:s23] =	ssyncadd.s32 $0xFFFFFFB0  }
0x14e: {  	[spmem:s6] =	stream.indirect.scatter.add.f32 [tilespmem:s18], [sflag:$0x5], $0x80, s0, s14, $0xb8;
	v63 =	vld [tilespmem:$0x0]  }
0x14f: {  	_ =	swait.ge [sflag:s13], $0x2800  }
0x150: {  	s8 =	sadd.s32 s8, s17;
	[sflag:s13] =	ssyncset.done $0x0  }
0x151: {  	s20 =	sadd.s32 $0x9C4, s8;
	[sflag:s13] =	ssyncadd.s32 $0xFFFFD800  }
0x152: {  	[tilespmem:s0], [sflag:$0x3] =	stream.linear.gather [hbm4b:s20+s7], $0x50, $0x38;
	v63 =	vld [tilespmem:$0x0]  }
0x153: {  	s20 =	sadd.s32 $0xFFFFFFB0, s16  }
0x154: {  	[tilespmem:s18], [sflag:$0x1] =	stream.indirect.gather [hbm4b:s3+s14], $0x80, s20, s14, $0xb8;
	v63 =	vld [tilespmem:$0x0]  }
0x155: {  	_ =	swait.ge [sflag:s11], $0x2800  }
0x156: {  	[sflag:s11] =	ssyncset.done $0x0  }
0x157: {  	[sflag:s11] =	ssyncadd.s32 $0xFFFFD800  }
0x158: {  	_ =	swait.ge [sflag:s15], $0x50  }
0x159: {  	[sflag:s15] =	ssyncset.done $0x0  }
0x15a: {  	[sflag:s15] =	ssyncadd.s32 $0xFFFFFFB0  }
0x15b: {  	[spmem:s6] =	stream.indirect.scatter.add.f32 [tilespmem:s29], [sflag:$0x5], $0x80, s12, s14, $0xb8;
	v63 =	vld [tilespmem:$0x0]  }
.Ltmp7:
0x15c: {  	_ =	swait.ge [sflag:s13], $0x2800;
	(pc) =	sbr.rel @!p4 .LBB2_10-.Ltmp7, $4  }
0x15d: {  	[sflag:s13] =	ssyncset.done $0x0  }
0x15e: {  	s8 =	sadd.s32 $0x9CE, s8;
	[sflag:s13] =	ssyncadd.s32 $0xFFFFD800  }
0x15f: {  	[tilespmem:s12], [sflag:$0x4] =	stream.linear.gather [hbm4b:s8+s7], $0x50, $0x38;
	v63 =	vld [tilespmem:$0x0]  }
0x160: {  	s16 =	sadd.s32 $0xA0, s16  }
0x161: {  	[tilespmem:s29], [sflag:$0x2] =	stream.indirect.gather [hbm4b:s3+s14], $0x80, s10, s14, $0xb8;
	v63 =	vld [tilespmem:$0x0]  }
0x162: {  	_ =	swait.ge [sflag:s31], $0x2800  }
0x163: {  	[sflag:s31] =	ssyncset.done $0x0  }
0x164: {  	[sflag:s31] =	ssyncadd.s32 $0xFFFFD800  }
0x165: {  	_ =	swait.ge [sflag:s23], $0x50  }
0x166: {  	[sflag:s23] =	ssyncset.done $0x0  }
0x167: {  	[sflag:s23] =	ssyncadd.s32 $0xFFFFFFB0  }
0x168: {  	[spmem:s6] =	stream.indirect.scatter.add.f32 [tilespmem:s18], [sflag:$0x5], $0x80, s0, s14, $0xb8;
	v63 =	vld [tilespmem:$0x0]  }
0x169: {  	_ =	swait.ge [sflag:s13], $0x2800  }
0x16a: {  	[sflag:s13] =	ssyncset.done $0x0  }
0x16b: {  	[sflag:s13] =	ssyncadd.s32 $0xFFFFD800  }
0x16c: {  	_ =	swait.ge [sflag:s11], $0x2800  }
0x16d: {  	[sflag:s11] =	ssyncset.done $0x0  }
.Ltmp8:
0x16e: {  	[sflag:s11] =	ssyncadd.s32 $0xFFFFD800;
	(pc) =	sbr.rel .LBB2_12-.Ltmp8, $4  }
0x16f: {  	_ =	swait.ge [sflag:s15], $0x50  }
0x170: {  	[sflag:s15] =	ssyncset.done $0x0  }
0x171: {  	[sflag:s15] =	ssyncadd.s32 $0xFFFFFFB0  }
0x172: {  	[spmem:s6] =	stream.indirect.scatter.add.f32 [tilespmem:s29], [sflag:$0x5], $0x80, s12, s14, $0xb8;
	v63 =	vld [tilespmem:$0x0]  }
.LBB2_23:
0x173: {  	s8 =	rddreg [dreg:$0xb];
	s10 =	simm.s32 $0x80;
	s16 =	simm.s32 $0x400  }
0x174: {  	[hbm4b:s8+s10] =	stream.strided.scatter [tilespmem:s5], [sflag:$0x5], $0x2800, s16, s10, $0x38;
	v63 =	vld [tilespmem:$0x0]  }
.LBB2_12:
0x175: {  	_ =	swait.ge [sflag:s13], $0x2800  }
0x176: {  	[sflag:s13] =	ssyncset.done $0x0  }
0x177: {  	s8 =	simm.s32 $0x0;
	s10 =	simm.s32 $0x200;
	[sflag:s13] =	ssyncadd.s32 $0xFFFFD800  }
.LBB2_13:
0x178: {  	p4 =	sne.s32 s10, $0x9E00;
	[tilespmem:s8+$0x18870] =	vst v0  }
0x179: {  	[tilespmem:s8+$0x18800] =	vst v0  }
0x17a: {  	[tilespmem:s8+$0x18810] =	vst v0  }
.Ltmp9:
0x17b: {  	[tilespmem:s8+$0x18820] =	vst v0;
	(pc) =	sbr.rel @p4 .LBB2_13-.Ltmp9, $4  }
0x17c: {  	[tilespmem:s8+$0x18830] =	vst v0  }
0x17d: {  	[tilespmem:s8+$0x18840] =	vst v0  }
0x17e: {  	[tilespmem:s8+$0x18850] =	vst v0  }
0x17f: {  	[tilespmem:s8+$0x18860] =	vst v0;
	s8 =	sshra.s32 s10, $0x2;
	s10 =	sadd.s32 $0x200, s10  }
0x180: {  	[tilespmem:s8+$0x18870] =	vst v0  }
0x181: {  	[tilespmem:s8+$0x18800] =	vst v0  }
0x182: {  	[tilespmem:s8+$0x18810] =	vst v0  }
0x183: {  	[tilespmem:s8+$0x18820] =	vst v0  }
0x184: {  	[tilespmem:s8+$0x18830] =	vst v0  }
0x185: {  	[tilespmem:s8+$0x18840] =	vst v0  }
0x186: {  	[tilespmem:s8+$0x18850] =	vst v0  }
0x187: {  	[tilespmem:s8+$0x18860] =	vst v0  }
0x188: {  	[bflag:$0x0] =	sbarrier.arrive $0xFFFF  }
0x189: {  	s20 =	sshll.u32 s26, $0x6;
	s19 =	simm.s32 $0x6;
	s10 =	rddreg [dreg:$0xf]  }
0x18a: {  	s28 =	sor.u32 $0x1C06, s20;
	s16 =	rddreg [dreg:$0x1d];
	s1 =	sshrl.u32 s10, $0x3  }
0x18b: {  	[hbm:s16], [sflag:s28] =	dma.local [spmem:s1], $0x500  }
0x18c: {  	_ =	swait.ge [sflag:s19], $0x500  }
0x18d: {  	[sflag:s19] =	ssyncset.done $0x0  }
0x18e: {  	[sflag:s19] =	ssyncadd.s32 $0xFFFFFB00  }
0x18f: {  	[spmem:s10] =	stream.linear.scatter [tilespmem:s18], [sflag:$0x5], $0x2800, $0x38;
	v63 =	vld [tilespmem:$0x0]  }
0x190: {  	_ =	swait.ge [sflag:s13], $0x2800  }
0x191: {  	s8 =	rddreg [dreg:$0x13]  }
0x192: {  	[sflag:s13] =	ssyncset.done $0x0;
	s16 =	rddreg [dreg:$0x1e];
	s1 =	sshrl.u32 s8, $0x3  }
0x193: {  	[sflag:s13] =	ssyncadd.s32 $0xFFFFD800;
	[smem:$0x7EB] =	sst s1  }
0x194: {  	[hbm:s16], [sflag:s28] =	dma.local [spmem:s1], $0x500  }
0x195: {  	_ =	swait.ge [sflag:s19], $0x500  }
0x196: {  	[sflag:s19] =	ssyncset.done $0x0  }
0x197: {  	[sflag:s19] =	ssyncadd.s32 $0xFFFFFB00  }
0x198: {  	[spmem:s8] =	stream.linear.scatter [tilespmem:s18], [sflag:$0x5], $0x2800, $0x38;
	v63 =	vld [tilespmem:$0x0]  }
0x199: {  	_ =	swait.ge [sflag:s13], $0x2800  }
0x19a: {  	[sflag:s13] =	ssyncset.done $0x0;
	s10 =	rddreg [dreg:$0x14]  }
0x19b: {  	s1 =	rddreg [dreg:$0x1f];
	[sflag:s13] =	ssyncadd.s32 $0xFFFFD800;
	s16 =	sshrl.u32 s10, $0x3  }
0x19c: {  	[hbm:s1], [sflag:s28] =	dma.local [spmem:s16], $0x500  }
0x19d: {  	_ =	swait.ge [sflag:s19], $0x500  }
0x19e: {  	[sflag:s19] =	ssyncset.done $0x0  }
0x19f: {  	[sflag:s19] =	ssyncadd.s32 $0xFFFFFB00  }
0x1a0: {  	[spmem:s10] =	stream.linear.scatter [tilespmem:s18], [sflag:$0x5], $0x2800, $0x38;
	v63 =	vld [tilespmem:$0x0]  }
0x1a1: {  	_ =	swait.ge [sflag:s13], $0x2800  }
0x1a2: {  	s8 =	rddreg [dreg:$0x16]  }
0x1a3: {  	s16 =	sld [smem:$0x7F1]  }
0x1a4: {  	[sflag:s13] =	ssyncset.done $0x0;
	s10 =	sshrl.u32 s8, $0x3  }
0x1a5: {  	[sflag:s13] =	ssyncadd.s32 $0xFFFFD800;
	[smem:$0x7EC] =	sst s10  }
0x1a6: {  	[hbm:s16], [sflag:s28] =	dma.local [spmem:s10], $0x500  }
0x1a7: {  	_ =	swait.ge [sflag:s19], $0x500  }
0x1a8: {  	[sflag:s19] =	ssyncset.done $0x0  }
0x1a9: {  	[sflag:s19] =	ssyncadd.s32 $0xFFFFFB00  }
0x1aa: {  	[spmem:s8] =	stream.linear.scatter [tilespmem:s18], [sflag:$0x5], $0x2800, $0x38;
	v63 =	vld [tilespmem:$0x0]  }
0x1ab: {  	_ =	swait.ge [sflag:s13], $0x2800  }
0x1ac: {  	s1 =	sld [smem:$0x7F2]  }
0x1ad: {  	[sflag:s13] =	ssyncset.done $0x0  }
0x1ae: {  	s16 =	sshrl.u32 s21, $0x3;
	[sflag:s13] =	ssyncadd.s32 $0xFFFFD800  }
0x1af: {  	[hbm:s1], [sflag:s28] =	dma.local [spmem:s16], $0x500  }
0x1b0: {  	_ =	swait.ge [sflag:s19], $0x500  }
0x1b1: {  	[sflag:s19] =	ssyncset.done $0x0  }
0x1b2: {  	[sflag:s19] =	ssyncadd.s32 $0xFFFFFB00  }
0x1b3: {  	[spmem:s21] =	stream.linear.scatter [tilespmem:s18], [sflag:$0x5], $0x2800, $0x38;
	v63 =	vld [tilespmem:$0x0]  }
0x1b4: {  	_ =	swait.ge [sflag:s13], $0x2800  }
0x1b5: {  	s8 =	rddreg [dreg:$0x19]  }
0x1b6: {  	s21 =	sld [smem:$0x7F3]  }
0x1b7: {  	[sflag:s13] =	ssyncset.done $0x0;
	s16 =	sshrl.u32 s8, $0x3  }
0x1b8: {  	[sflag:s13] =	ssyncadd.s32 $0xFFFFD800;
	[smem:$0x7ED] =	sst s16  }
0x1b9: {  	[hbm:s21], [sflag:s28] =	dma.local [spmem:s16], $0x500  }
0x1ba: {  	_ =	swait.ge [sflag:s19], $0x500  }
0x1bb: {  	[sflag:s19] =	ssyncset.done $0x0  }
0x1bc: {  	[sflag:s19] =	ssyncadd.s32 $0xFFFFFB00  }
0x1bd: {  	[spmem:s8] =	stream.linear.scatter [tilespmem:s18], [sflag:$0x5], $0x2800, $0x38;
	v63 =	vld [tilespmem:$0x0]  }
0x1be: {  	_ =	swait.ge [sflag:s13], $0x2800  }
0x1bf: {  	s8 =	rddreg [dreg:$0x1b]  }
0x1c0: {  	s21 =	sld [smem:$0x7F4]  }
0x1c1: {  	[sflag:s13] =	ssyncset.done $0x0;
	s16 =	sshrl.u32 s8, $0x3  }
0x1c2: {  	[sflag:s13] =	ssyncadd.s32 $0xFFFFD800;
	[smem:$0x7EE] =	sst s16  }
0x1c3: {  	[hbm:s21], [sflag:s28] =	dma.local [spmem:s16], $0x500  }
0x1c4: {  	_ =	swait.ge [sflag:s19], $0x500  }
0x1c5: {  	[sflag:s19] =	ssyncset.done $0x0  }
0x1c6: {  	[sflag:s19] =	ssyncadd.s32 $0xFFFFFB00  }
0x1c7: {  	[spmem:s8] =	stream.linear.scatter [tilespmem:s18], [sflag:$0x5], $0x2800, $0x38;
	v63 =	vld [tilespmem:$0x0]  }
0x1c8: {  	_ =	swait.ge [sflag:s13], $0x2800  }
0x1c9: {  	s8 =	sld [smem:$0x7F5]  }
0x1ca: {  	s1 =	sshrl.u32 @!p1 s22, $0x3;
	[sflag:s13] =	ssyncset.done $0x0  }
0x1cb: {  	[smem:$0x7EF] =	sst s1;
	[sflag:s13] =	ssyncadd.s32 $0xFFFFD800  }
0x1cc: {  	[hbm:s8], [sflag:s28] =	dma.local @!p1 [spmem:s1], $0x500  }
0x1cd: {  	s8 =	simm.s32 @!p1 $0x6  }
0x1ce: {  	_ =	swait.ge @!p1 [sflag:s8], $0x500  }
0x1cf: {  	[sflag:s8] =	ssyncset.done @!p1 $0x0  }
0x1d0: {  	[sflag:s8] =	ssyncadd.s32 @!p1 $0xFFFFFB00;
	s8 =	simm.s32 @!p1 $0x18800  }
0x1d1: {  	[spmem:s22] =	stream.linear.scatter @!p1 [tilespmem:s8], [sflag:$0x5], $0x2800, $0x38;
	v63 =	vld [tilespmem:$0x0]  }
0x1d2: {  	s8 =	simm.s32 @!p1 $0x5  }
0x1d3: {  	_ =	swait.ge @!p1 [sflag:s8], $0x2800  }
0x1d4: {  	[sflag:s8] =	ssyncset.done @!p1 $0x0  }
.Ltmp10:
0x1d5: {  	[sflag:s8] =	ssyncadd.s32 @!p1 $0xFFFFD800;
	(pc) =	sbr.rel @p2 .LBB2_18-.Ltmp10, $4  }
0x1d6: {  	[bflag:$0x0] =	sbarrier.arrive $0xFFFF  }
0x1d7: {  	[tilespmem:s0], [sflag:$0x3] =	stream.linear.gather [hbm4b:s9+s7], $0x50, $0x38;
	v63 =	vld [tilespmem:$0x0]  }
0x1d8: {  	_ = 	snop  }
0x1d9: {  	[tilespmem:s12], [sflag:$0x4] =	stream.linear.gather [hbm4b:s24+s7], $0x50, $0x38;
	v63 =	vld [tilespmem:$0x0]  }
0x1da: {  	[tilespmem:s18], [sflag:$0x1] =	stream.indirect.gather [hbm4b:s2+s14], $0x80, s25, s14, $0xb8;
	v63 =	vld [tilespmem:$0x0]  }
0x1db: {  	_ = 	snop  }
0x1dc: {  	[tilespmem:s29], [sflag:$0x2] =	stream.indirect.gather [hbm4b:s2+s14], $0x80, s30, s14, $0xb8;
	v63 =	vld [tilespmem:$0x0]  }
0x1dd: {  	_ =	swait.ge [sflag:s31], $0x2800  }
0x1de: {  	[sflag:s31] =	ssyncset.done $0x0  }
0x1df: {  	[sflag:s31] =	ssyncadd.s32 $0xFFFFD800  }
0x1e0: {  	_ =	swait.ge [sflag:s23], $0x50  }
0x1e1: {  	[sflag:s23] =	ssyncset.done $0x0  }
0x1e2: {  	[sflag:s23] =	ssyncadd.s32 $0xFFFFFFB0  }
0x1e3: {  	[spmem:s6] =	stream.indirect.scatter.add.f32 [tilespmem:s18], [sflag:$0x5], $0x80, s0, s14, $0xb8;
	v63 =	vld [tilespmem:$0x0]  }
0x1e4: {  	_ =	swait.ge [sflag:s13], $0x2800  }
0x1e5: {  	s8 =	sadd.s32 $0xFFFFF650, s17;
	[sflag:s13] =	ssyncset.done $0x0  }
0x1e6: {  	s16 =	sadd.s32 $0x9C4, s8;
	[sflag:s13] =	ssyncadd.s32 $0xFFFFD800  }
0x1e7: {  	[tilespmem:s0], [sflag:$0x3] =	stream.linear.gather [hbm4b:s16+s7], $0x50, $0x38;
	v63 =	vld [tilespmem:$0x0]  }
0x1e8: {  	s30 =	simm.s32 $0x13920  }
0x1e9: {  	[tilespmem:s18], [sflag:$0x1] =	stream.indirect.gather [hbm4b:s2+s14], $0x80, s30, s14, $0xb8;
	v63 =	vld [tilespmem:$0x0]  }
0x1ea: {  	_ =	swait.ge [sflag:s11], $0x2800  }
0x1eb: {  	[sflag:s11] =	ssyncset.done $0x0  }
0x1ec: {  	[sflag:s11] =	ssyncadd.s32 $0xFFFFD800  }
0x1ed: {  	_ =	swait.ge [sflag:s15], $0x50  }
0x1ee: {  	[sflag:s15] =	ssyncset.done $0x0  }
0x1ef: {  	[sflag:s15] =	ssyncadd.s32 $0xFFFFFFB0  }
0x1f0: {  	[spmem:s6] =	stream.indirect.scatter.add.f32 [tilespmem:s29], [sflag:$0x5], $0x80, s12, s14, $0xb8;
	v63 =	vld [tilespmem:$0x0]  }
0x1f1: {  	_ =	swait.ge [sflag:s13], $0x2800  }
0x1f2: {  	[sflag:s13] =	ssyncset.done $0x0  }
0x1f3: {  	s8 =	sadd.s32 $0x9CE, s8;
	[sflag:s13] =	ssyncadd.s32 $0xFFFFD800  }
0x1f4: {  	[tilespmem:s12], [sflag:$0x4] =	stream.linear.gather [hbm4b:s8+s7], $0x50, $0x38;
	v63 =	vld [tilespmem:$0x0]  }
0x1f5: {  	s25 =	simm.s32 $0x13970;
	s16 =	simm.s32 $0xFFFFF664;
	s8 =	simm.s32 $0x13A10  }
.LBB2_16:
0x1f6: {  	[tilespmem:s29], [sflag:$0x2] =	stream.indirect.gather [hbm4b:s2+s14], $0x80, s25, s14, $0xb8;
	v63 =	vld [tilespmem:$0x0]  }
0x1f7: {  	s9 =	smov.u32 s16;
	s25 =	smov.u32 s8  }
0x1f8: {  	p4 =	seq.s32 s16, $0xFFFFFFEC;
	s16 =	sadd.s32 $0x14, s16;
	_ =	swait.ge [sflag:s31], $0x2800  }
0x1f9: {  	[sflag:s31] =	ssyncset.done $0x0  }
0x1fa: {  	[sflag:s31] =	ssyncadd.s32 $0xFFFFD800  }
0x1fb: {  	_ =	swait.ge [sflag:s23], $0x50  }
0x1fc: {  	[sflag:s23] =	ssyncset.done $0x0  }
0x1fd: {  	[sflag:s23] =	ssyncadd.s32 $0xFFFFFFB0  }
0x1fe: {  	[spmem:s6] =	stream.indirect.scatter.add.f32 [tilespmem:s18], [sflag:$0x5], $0x80, s0, s14, $0xb8;
	v63 =	vld [tilespmem:$0x0]  }
0x1ff: {  	_ =	swait.ge [sflag:s13], $0x2800  }
0x200: {  	s9 =	sadd.s32 s9, s17;
	[sflag:s13] =	ssyncset.done $0x0  }
0x201: {  	s30 =	sadd.s32 $0x9C4, s9;
	[sflag:s13] =	ssyncadd.s32 $0xFFFFD800  }
0x202: {  	[tilespmem:s0], [sflag:$0x3] =	stream.linear.gather [hbm4b:s30+s7], $0x50, $0x38;
	v63 =	vld [tilespmem:$0x0]  }
0x203: {  	s30 =	sadd.s32 $0xFFFFFFB0, s8  }
0x204: {  	[tilespmem:s18], [sflag:$0x1] =	stream.indirect.gather [hbm4b:s2+s14], $0x80, s30, s14, $0xb8;
	v63 =	vld [tilespmem:$0x0]  }
0x205: {  	_ =	swait.ge [sflag:s11], $0x2800  }
0x206: {  	[sflag:s11] =	ssyncset.done $0x0  }
0x207: {  	[sflag:s11] =	ssyncadd.s32 $0xFFFFD800  }
0x208: {  	_ =	swait.ge [sflag:s15], $0x50  }
0x209: {  	[sflag:s15] =	ssyncset.done $0x0  }
0x20a: {  	[sflag:s15] =	ssyncadd.s32 $0xFFFFFFB0  }
0x20b: {  	[spmem:s6] =	stream.indirect.scatter.add.f32 [tilespmem:s29], [sflag:$0x5], $0x80, s12, s14, $0xb8;
	v63 =	vld [tilespmem:$0x0]  }
.Ltmp11:
0x20c: {  	_ =	swait.ge [sflag:s13], $0x2800;
	(pc) =	sbr.rel @!p4 .LBB2_16-.Ltmp11, $4  }
0x20d: {  	[sflag:s13] =	ssyncset.done $0x0  }
0x20e: {  	s9 =	sadd.s32 $0x9CE, s9;
	[sflag:s13] =	ssyncadd.s32 $0xFFFFD800  }
0x20f: {  	[tilespmem:s12], [sflag:$0x4] =	stream.linear.gather [hbm4b:s9+s7], $0x50, $0x38;
	v63 =	vld [tilespmem:$0x0]  }
0x210: {  	s8 =	sadd.s32 $0xA0, s8  }
.Ltmp12:
0x211: {  	(pc) =	sbr.rel .LBB2_21-.Ltmp12, $2  }
0x212: {  	_ =	sdelay $0x2  }
0x213: {  	[tilespmem:s29], [sflag:$0x2] =	stream.indirect.gather [hbm4b:s2+s14], $0x80, s25, s14, $0xb8;
	v63 =	vld [tilespmem:$0x0]  }
.LBB2_18:
0x214: {  	[tilespmem:s18], [sflag:$0x1] =	stream.indirect.gather [hbm4b:s4+s14], $0x80, s25, s14, $0xb8;
	v63 =	vld [tilespmem:$0x0]  }
0x215: {  	_ = 	snop  }
0x216: {  	[tilespmem:s29], [sflag:$0x2] =	stream.indirect.gather [hbm4b:s4+s14], $0x80, s30, s14, $0xb8;
	v63 =	vld [tilespmem:$0x0]  }
0x217: {  	_ =	swait.ge [sflag:s31], $0x2800  }
0x218: {  	[sflag:s31] =	ssyncset.done $0x0  }
0x219: {  	[sflag:s31] =	ssyncadd.s32 $0xFFFFD800  }
0x21a: {  	_ =	swait.ge [sflag:s23], $0x50  }
0x21b: {  	[sflag:s23] =	ssyncset.done $0x0  }
0x21c: {  	[sflag:s23] =	ssyncadd.s32 $0xFFFFFFB0  }
0x21d: {  	[spmem:s6] =	stream.indirect.scatter.add.f32 [tilespmem:s18], [sflag:$0x5], $0x80, s0, s14, $0xb8;
	v63 =	vld [tilespmem:$0x0]  }
0x21e: {  	_ =	swait.ge [sflag:s13], $0x2800  }
0x21f: {  	s8 =	sadd.s32 $0xFFFFF650, s17;
	[sflag:s13] =	ssyncset.done $0x0  }
0x220: {  	s9 =	sadd.s32 $0x9C4, s8;
	[sflag:s13] =	ssyncadd.s32 $0xFFFFD800  }
0x221: {  	[tilespmem:s0], [sflag:$0x3] =	stream.linear.gather [hbm4b:s9+s7], $0x50, $0x38;
	v63 =	vld [tilespmem:$0x0]  }
0x222: {  	s30 =	simm.s32 $0x13920  }
0x223: {  	[tilespmem:s18], [sflag:$0x1] =	stream.indirect.gather [hbm4b:s4+s14], $0x80, s30, s14, $0xb8;
	v63 =	vld [tilespmem:$0x0]  }
0x224: {  	_ =	swait.ge [sflag:s11], $0x2800  }
0x225: {  	[sflag:s11] =	ssyncset.done $0x0  }
0x226: {  	[sflag:s11] =	ssyncadd.s32 $0xFFFFD800  }
0x227: {  	_ =	swait.ge [sflag:s15], $0x50  }
0x228: {  	[sflag:s15] =	ssyncset.done $0x0  }
0x229: {  	[sflag:s15] =	ssyncadd.s32 $0xFFFFFFB0  }
0x22a: {  	[spmem:s6] =	stream.indirect.scatter.add.f32 [tilespmem:s29], [sflag:$0x5], $0x80, s12, s14, $0xb8;
	v63 =	vld [tilespmem:$0x0]  }
0x22b: {  	_ =	swait.ge [sflag:s13], $0x2800  }
0x22c: {  	[sflag:s13] =	ssyncset.done $0x0  }
0x22d: {  	s8 =	sadd.s32 $0x9CE, s8;
	[sflag:s13] =	ssyncadd.s32 $0xFFFFD800  }
0x22e: {  	[tilespmem:s12], [sflag:$0x4] =	stream.linear.gather [hbm4b:s8+s7], $0x50, $0x38;
	v63 =	vld [tilespmem:$0x0]  }
0x22f: {  	s25 =	simm.s32 $0x13970;
	s16 =	simm.s32 $0xFFFFF664;
	s8 =	simm.s32 $0x13A10  }
.LBB2_19:
0x230: {  	[tilespmem:s29], [sflag:$0x2] =	stream.indirect.gather [hbm4b:s4+s14], $0x80, s25, s14, $0xb8;
	v63 =	vld [tilespmem:$0x0]  }
0x231: {  	s9 =	smov.u32 s16;
	s25 =	smov.u32 s8  }
0x232: {  	p4 =	sne.s32 s16, $0xFFFFFFEC;
	s16 =	sadd.s32 $0x14, s16;
	_ =	swait.ge [sflag:s31], $0x2800  }
0x233: {  	[sflag:s31] =	ssyncset.done $0x0  }
0x234: {  	[sflag:s31] =	ssyncadd.s32 $0xFFFFD800  }
0x235: {  	_ =	swait.ge [sflag:s23], $0x50  }
0x236: {  	[sflag:s23] =	ssyncset.done $0x0  }
0x237: {  	[sflag:s23] =	ssyncadd.s32 $0xFFFFFFB0  }
0x238: {  	[spmem:s6] =	stream.indirect.scatter.add.f32 [tilespmem:s18], [sflag:$0x5], $0x80, s0, s14, $0xb8;
	v63 =	vld [tilespmem:$0x0]  }
0x239: {  	_ =	swait.ge [sflag:s13], $0x2800  }
0x23a: {  	s9 =	sadd.s32 s9, s17;
	[sflag:s13] =	ssyncset.done $0x0  }
0x23b: {  	s30 =	sadd.s32 $0x9C4, s9;
	[sflag:s13] =	ssyncadd.s32 $0xFFFFD800  }
0x23c: {  	[tilespmem:s0], [sflag:$0x3] =	stream.linear.gather [hbm4b:s30+s7], $0x50, $0x38;
	v63 =	vld [tilespmem:$0x0]  }
0x23d: {  	s30 =	sadd.s32 $0xFFFFFFB0, s8  }
0x23e: {  	[tilespmem:s18], [sflag:$0x1] =	stream.indirect.gather [hbm4b:s4+s14], $0x80, s30, s14, $0xb8;
	v63 =	vld [tilespmem:$0x0]  }
0x23f: {  	_ =	swait.ge [sflag:s11], $0x2800  }
0x240: {  	[sflag:s11] =	ssyncset.done $0x0  }
0x241: {  	[sflag:s11] =	ssyncadd.s32 $0xFFFFD800  }
0x242: {  	_ =	swait.ge [sflag:s15], $0x50  }
0x243: {  	[sflag:s15] =	ssyncset.done $0x0  }
0x244: {  	[sflag:s15] =	ssyncadd.s32 $0xFFFFFFB0  }
0x245: {  	[spmem:s6] =	stream.indirect.scatter.add.f32 [tilespmem:s29], [sflag:$0x5], $0x80, s12, s14, $0xb8;
	v63 =	vld [tilespmem:$0x0]  }
.Ltmp13:
0x246: {  	_ =	swait.ge [sflag:s13], $0x2800;
	(pc) =	sbr.rel @p4 .LBB2_19-.Ltmp13, $4  }
0x247: {  	[sflag:s13] =	ssyncset.done $0x0  }
0x248: {  	s9 =	sadd.s32 $0x9CE, s9;
	[sflag:s13] =	ssyncadd.s32 $0xFFFFD800  }
0x249: {  	[tilespmem:s12], [sflag:$0x4] =	stream.linear.gather [hbm4b:s9+s7], $0x50, $0x38;
	v63 =	vld [tilespmem:$0x0]  }
0x24a: {  	s8 =	sadd.s32 $0xA0, s8  }
.Ltmp14:
0x24b: {  	_ = 	snop;
	(pc) =	sbr.rel .LBB2_20-.Ltmp14, $1  }
0x24c: {  	_ =	sdelay $0x3  }
.LBB2_22:
0x24d: {  	_ =	sfence.sel $0x180000  }
0x24e: {  	[bflag:$0x0] =	sbarrier.arrive $0xFFFF  }
0x24f: {  	_ =	strace $0x90000047  }
0x250: {  	[bflag:$0x2] =	sbarrier.arrive $0xFFFF  }
0x251: {  	p0 =	sne.s32 s26, $0x0;
	s0 =	rddreg [dreg:$0x6]  }
0x252: {  	s0 =	sadd.s32 @!p0 $0x100000, s0  }
0x253: {  	[sflag:s0] =	ssyncadd.tile.s32 @!p0 $0x1;
	_ =	shalt  }
.Lfunc_end2:
_tile_overlayer_lowered:
.L_overlay_start_2:
0x254: {  	(tag) =	ssettag $0x2  }
0x255: {  	s0 =	rddreg [dreg:$0x0];
	s2 =	stileid.u32  }
0x256: {  	s1 =	rddreg [dreg:$0x1];
	p0 =	sne.s32 s2, $0x0  }
0x257: {  	s3 =	rddreg [dreg:$0x2];
	[bflag:$0x3] =	sbarrier.arrive $0xFFFF;
	s2 =	simm.s32 @!p0 $0x1C05  }
0x258: {  	[timem:s3], [sflag:s2] =	dma.local @!p0 [hbm:s0], s1  }
0x259: {  	s0 =	simm.s32 @!p0 $0x5  }
0x25a: {  	_ =	swait.ge @!p0 [sflag:s0], s1  }
0x25b: {  	s1 =	ssub.s32 @!p0 $0x0, s1;
	[sflag:s0] =	ssyncset.done @!p0 $0x0  }
0x25c: {  	[sflag:s0] =	ssyncadd.s32 @!p0 s1  }
0x25d: {  	[bflag:$0x3] =	sbarrier.arrive $0xFFFF  }
0x25e: {  	_ =	shalt  }

</sc_bundles>
